<compile_context>
chip_gen: v7x
topology: tpu7x:2x2x1
jax: 0.10.2.dev20260603
libtpu: 0.0.44.dev20260713+nightly
codegen_flags: <defaults>
</compile_context>

<pallas_src>
import functools
import math

import jax
import jax.numpy as jnp
from jax import lax
from jax.experimental import pallas as pl
from jax.experimental.pallas import tpu as pltpu
from jax.experimental.pallas import tpu_sc as plsc

T = 2048
H = 1024
NH = 16
NKV = 4
HD = 64
E = 64
TOPK = 2
I = 512
EPS = 1e-6
THETA = 1000000.0
QKVD = (NH + 2 * NKV) * HD

BT = 256
BQ = 512
BS = 64
NS = T * TOPK
NS_PAD = NS + E * BS
NB = NS_PAD // BS



def _rope_tables(t0, n):
    half = HD // 2
    pos = (lax.broadcasted_iota(jnp.int32, (n, half), 0)
           + t0).astype(jnp.float32)
    inv = jnp.exp(lax.broadcasted_iota(jnp.int32, (n, half), 1)
                  .astype(jnp.float32) * (-math.log(THETA) / half))
    f = pos * inv
    return jnp.cos(f), jnp.sin(f)


def _norm_rope_head(sl, wn, c, s):
    half = HD // 2
    ms = jnp.mean(sl * sl, axis=-1, keepdims=True)
    xn = sl * lax.rsqrt(ms + EPS) * wn
    x1 = xn[:, :half]
    x2 = xn[:, half:]
    return jnp.concatenate([x1 * c - x2 * s, x2 * c + x1 * s], axis=-1)


def _qkv_prep_body(hid_ref, wln_ref, wqkv_ref, wqn_ref, wkn_ref,
                   q_ref, k_ref, v_ref):
    t = pl.program_id(0)
    x = hid_ref[...]
    ms = jnp.mean(x * x, axis=-1, keepdims=True)
    h = (x * lax.rsqrt(ms + EPS) * wln_ref[...]).astype(jnp.bfloat16)
    qkv = lax.dot_general(
        h, wqkv_ref[...].astype(jnp.bfloat16), (((1,), (1,)), ((), ())),
        preferred_element_type=jnp.float32)
    c, s = _rope_tables(t * BT, BT)
    wqn = wqn_ref[...]
    wkn = wkn_ref[...]
    for hh in range(NH):
        sl = qkv[:, hh * HD:(hh + 1) * HD]
        q_ref[hh] = _norm_rope_head(sl, wqn, c, s)
    for kk in range(NKV):
        sl = qkv[:, NH * HD + kk * HD:NH * HD + (kk + 1) * HD]
        k_ref[kk] = _norm_rope_head(sl, wkn, c, s)
    for vv in range(NKV):
        v_ref[vv] = qkv[:, (NH + NKV) * HD + vv * HD:
                        (NH + NKV) * HD + (vv + 1) * HD]


def _qkv_prep(hidden, w_ln1, w_qkv, w_qn, w_kn):
    return pl.pallas_call(
        _qkv_prep_body,
        grid=(T // BT,),
        in_specs=[
            pl.BlockSpec((BT, H), lambda t: (t, 0)),
            pl.BlockSpec((1, H), lambda t: (0, 0)),
            pl.BlockSpec((QKVD, H), lambda t: (0, 0)),
            pl.BlockSpec((1, HD), lambda t: (0, 0)),
            pl.BlockSpec((1, HD), lambda t: (0, 0)),
        ],
        out_specs=[
            pl.BlockSpec((NH, BT, HD), lambda t: (0, t, 0)),
            pl.BlockSpec((NKV, BT, HD), lambda t: (0, t, 0)),
            pl.BlockSpec((NKV, BT, HD), lambda t: (0, t, 0)),
        ],
        out_shape=[
            jax.ShapeDtypeStruct((NH, T, HD), jnp.float32),
            jax.ShapeDtypeStruct((NKV, T, HD), jnp.float32),
            jax.ShapeDtypeStruct((NKV, T, HD), jnp.float32),
        ],
    )(hidden, w_ln1.reshape(1, H), w_qkv, w_qn.reshape(1, HD),
      w_kn.reshape(1, HD))


def _flash_body(q_ref, k_ref, v_ref, o_ref):
    qb = pl.program_id(1)
    q = (q_ref[0] * (HD ** -0.5)).astype(jnp.bfloat16)
    k = k_ref[0].astype(jnp.bfloat16)
    s = lax.dot_general(q, k, (((1,), (1,)), ((), ())),
                        preferred_element_type=jnp.float32)
    rowp = qb * BQ + lax.broadcasted_iota(jnp.int32, (BQ, T), 0)
    colp = lax.broadcasted_iota(jnp.int32, (BQ, T), 1)
    s = jnp.where(colp <= rowp, s, -1e30)
    m = jnp.max(s, axis=-1, keepdims=True)
    p = jnp.exp(s - m)
    l = jnp.sum(p, axis=-1, keepdims=True)
    v = v_ref[0].astype(jnp.bfloat16)
    acc = lax.dot_general(p.astype(jnp.bfloat16), v, (((1,), (0,)), ((), ())),
                          preferred_element_type=jnp.float32)
    o_ref[0] = acc / l


def _flash(q3, k3, v3):
    rep = NH // NKV
    return pl.pallas_call(
        _flash_body,
        grid=(NH, T // BQ),
        in_specs=[
            pl.BlockSpec((1, BQ, HD), lambda h, t: (h, t, 0)),
            pl.BlockSpec((1, T, HD), lambda h, t: (h // rep, 0, 0)),
            pl.BlockSpec((1, T, HD), lambda h, t: (h // rep, 0, 0)),
        ],
        out_specs=pl.BlockSpec((1, BQ, HD), lambda h, t: (h, t, 0)),
        out_shape=jax.ShapeDtypeStruct((NH, T, HD), jnp.float32),
    )(q3, k3, v3)


def _post_attn_body(attn_ref, hid_ref, wo_ref, wln2_ref, wg_ref,
                    hs_ref, h2_ref, idx_ref, w_ref):
    a = attn_ref[...].astype(jnp.bfloat16)
    hs = hid_ref[...] + lax.dot_general(
        a, wo_ref[...].astype(jnp.bfloat16), (((1,), (1,)), ((), ())),
        preferred_element_type=jnp.float32)
    hs_ref[...] = hs
    ms = jnp.mean(hs * hs, axis=-1, keepdims=True)
    h2 = hs * lax.rsqrt(ms + EPS) * wln2_ref[...]
    h2_ref[...] = h2
    logits = lax.dot_general(h2, wg_ref[...], (((1,), (1,)), ((), ())),
                             preferred_element_type=jnp.float32)
    eidx = lax.broadcasted_iota(jnp.int32, (BT, E), 1)
    big = jnp.int32(2 ** 30)
    m1 = jnp.max(logits, axis=-1, keepdims=True)
    a1 = jnp.min(jnp.where(logits == m1, eidx, big), axis=-1, keepdims=True)
    masked = jnp.where(eidx == a1, -1e30, logits)
    m2 = jnp.max(masked, axis=-1, keepdims=True)
    a2 = jnp.min(jnp.where(masked == m2, eidx, big), axis=-1, keepdims=True)
    w1 = 1.0 / (1.0 + jnp.exp(m2 - m1))
    idx_ref[...] = jnp.concatenate([a1, a2], axis=-1)
    w_ref[...] = jnp.concatenate([w1, 1.0 - w1], axis=-1)


def _post_attn(attn, hidden, w_o, w_ln2, w_gate):
    return pl.pallas_call(
        _post_attn_body,
        grid=(T // BT,),
        in_specs=[
            pl.BlockSpec((BT, H), lambda t: (t, 0)),
            pl.BlockSpec((BT, H), lambda t: (t, 0)),
            pl.BlockSpec((H, H), lambda t: (0, 0)),
            pl.BlockSpec((1, H), lambda t: (0, 0)),
            pl.BlockSpec((E, H), lambda t: (0, 0)),
        ],
        out_specs=[
            pl.BlockSpec((BT, H), lambda t: (t, 0)),
            pl.BlockSpec((BT, H), lambda t: (t, 0)),
            pl.BlockSpec((BT, 2), lambda t: (t, 0)),
            pl.BlockSpec((BT, 2), lambda t: (t, 0)),
        ],
        out_shape=[
            jax.ShapeDtypeStruct((T, H), jnp.float32),
            jax.ShapeDtypeStruct((T, H), jnp.float32),
            jax.ShapeDtypeStruct((T, 2), jnp.int32),
            jax.ShapeDtypeStruct((T, 2), jnp.float32),
        ],
    )(attn, hidden, w_o, w_ln2.reshape(1, H), w_gate)


def _ffn_body(be_ref, x_ref, wg_ref, wu_ref, wd_ref, y_ref):
    x = x_ref[...].astype(jnp.bfloat16)
    wg = wg_ref[0].astype(jnp.bfloat16)
    wu = wu_ref[0].astype(jnp.bfloat16)
    a = lax.dot_general(x, wg, (((1,), (1,)), ((), ())),
                        preferred_element_type=jnp.float32)
    b = lax.dot_general(x, wu, (((1,), (1,)), ((), ())),
                        preferred_element_type=jnp.float32)
    g = (a * (1.0 / (1.0 + jnp.exp(-a))) * b).astype(jnp.bfloat16)
    y_ref[...] = lax.dot_general(g, wd_ref[0].astype(jnp.bfloat16),
                                 (((1,), (1,)), ((), ())),
                                 preferred_element_type=jnp.float32)


def _ffn(block_expert, x_sorted, w_g, w_u, w_d):
    grid_spec = pltpu.PrefetchScalarGridSpec(
        num_scalar_prefetch=1,
        grid=(NB,),
        in_specs=[
            pl.BlockSpec((BS, H), lambda b, be: (b, 0)),
            pl.BlockSpec((1, I, H), lambda b, be: (be[b], 0, 0)),
            pl.BlockSpec((1, I, H), lambda b, be: (be[b], 0, 0)),
            pl.BlockSpec((1, H, I), lambda b, be: (be[b], 0, 0)),
        ],
        out_specs=pl.BlockSpec((BS, H), lambda b, be: (b, 0)),
    )
    return pl.pallas_call(
        _ffn_body,
        grid_spec=grid_spec,
        out_shape=jax.ShapeDtypeStruct((NS_PAD, H), jnp.float32),
    )(block_expert, x_sorted, w_g, w_u, w_d)


def _combine_body(hs_ref, y1_ref, y2_ref, w_ref, o_ref):
    w = w_ref[...]
    o_ref[...] = (hs_ref[...]
                  + w[:, 0:1] * y1_ref[...]
                  + w[:, 1:2] * y2_ref[...])


def _combine(hs, y1, y2, w):
    return pl.pallas_call(
        _combine_body,
        grid=(T // BT,),
        in_specs=[
            pl.BlockSpec((BT, H), lambda t: (t, 0)),
            pl.BlockSpec((BT, H), lambda t: (t, 0)),
            pl.BlockSpec((BT, H), lambda t: (t, 0)),
            pl.BlockSpec((BT, 2), lambda t: (t, 0)),
        ],
        out_specs=pl.BlockSpec((BT, H), lambda t: (t, 0)),
        out_shape=jax.ShapeDtypeStruct((T, H), jnp.float32),
    )(hs, y1, y2, w)



def _sc_gather(table, idx, nrows):
    info = plsc.get_sparse_core_info()
    nw = info.num_cores * info.num_subcores
    b_per_w = nrows // nw
    ch = 56
    sizes = []
    left = b_per_w
    while left > 0:
        sizes.append(min(ch, left))
        left -= sizes[-1]
    mesh = plsc.VectorSubcoreMesh(core_axis_name="c", subcore_axis_name="s")

    @functools.partial(
        pl.kernel, mesh=mesh,
        out_type=jax.ShapeDtypeStruct((nrows, H), jnp.float32),
        scratch_types=[
            pltpu.VMEM((b_per_w,), jnp.int32),
            pltpu.VMEM((ch, H), jnp.float32),
            pltpu.VMEM((ch, H), jnp.float32),
            pltpu.SemaphoreType.DMA,
            pltpu.SemaphoreType.DMA,
        ],
    )
    def k(table_hbm, idx_hbm, out_hbm, idx_v, rows_a, rows_b, gsem, wsem):
        wid = lax.axis_index("s") * info.num_cores + lax.axis_index("c")
        base = wid * b_per_w
        pltpu.sync_copy(idx_hbm.at[pl.ds(base, b_per_w)], idx_v)
        bufs = [rows_a, rows_b]
        offs = [sum(sizes[:c]) for c in range(len(sizes))]
        g_desc = [None, None]
        w_desc = [None, None]
        g_desc[0] = pltpu.async_copy(
            table_hbm.at[idx_v.at[pl.ds(0, sizes[0])]],
            bufs[0].at[pl.ds(0, sizes[0])], gsem)
        for c in range(len(sizes)):
            cur = c % 2
            nxt = (c + 1) % 2
            if c + 1 < len(sizes):
                if w_desc[nxt] is not None:
                    w_desc[nxt].wait()
                g_desc[nxt] = pltpu.async_copy(
                    table_hbm.at[idx_v.at[pl.ds(offs[c + 1], sizes[c + 1])]],
                    bufs[nxt].at[pl.ds(0, sizes[c + 1])], gsem)
            g_desc[cur].wait()
            w_desc[cur] = pltpu.async_copy(
                bufs[cur].at[pl.ds(0, sizes[c])],
                out_hbm.at[pl.ds(base + offs[c], sizes[c])], wsem)
        for d in w_desc:
            if d is not None:
                d.wait()

    return k(table, idx)


def _sc_dispatch(h2, slots_of_token):
    info = plsc.get_sparse_core_info()
    nw = info.num_cores * info.num_subcores
    tpw = T // nw
    idx3 = slots_of_token.reshape(nw, tpw, TOPK).transpose(0, 2, 1)
    mesh = plsc.VectorSubcoreMesh(core_axis_name="c", subcore_axis_name="s")

    @functools.partial(
        pl.kernel, mesh=mesh,
        out_type=jax.ShapeDtypeStruct((NS_PAD, H), jnp.float32),
        scratch_types=[
            pltpu.VMEM((TOPK, tpw), jnp.int32),
            pltpu.VMEM((tpw, H), jnp.float32),
            pltpu.SemaphoreType.DMA,
            pltpu.SemaphoreType.DMA,
        ],
    )
    def k(h2_hbm, idx_hbm, out_hbm, idx_v, rows_v, s1, s2):
        wid = lax.axis_index("s") * info.num_cores + lax.axis_index("c")
        pltpu.sync_copy(idx_hbm.at[wid], idx_v)
        pltpu.sync_copy(h2_hbm.at[pl.ds(wid * tpw, tpw)], rows_v)
        d1 = pltpu.async_copy(rows_v, out_hbm.at[idx_v.at[0]], s1)
        d2 = pltpu.async_copy(rows_v, out_hbm.at[idx_v.at[1]], s2)
        d1.wait()
        d2.wait()

    return k(h2, idx3)



def _route_metadata(topk_idx):
    e_flat = topk_idx.reshape(NS)
    oh = (e_flat[:, None] == jnp.arange(E, dtype=jnp.int32)[None, :])
    ohi = oh.astype(jnp.int32)
    csum = jnp.cumsum(ohi, axis=0)
    counts = csum[-1]
    rank = jnp.sum(ohi * csum, axis=1) - 1
    cpad = ((counts + BS - 1) // BS) * BS
    cum = jnp.cumsum(cpad)
    gstart = cum - cpad
    gs_of_pair = jnp.sum(ohi * gstart[None, :], axis=1)
    slot_of_pair = (gs_of_pair + rank).astype(jnp.int32)
    bstart = jnp.arange(NB, dtype=jnp.int32) * BS
    block_expert = jnp.clip(
        jnp.searchsorted(cum, bstart, side='right'), 0, E - 1
    ).astype(jnp.int32)
    return slot_of_pair.reshape(T, TOPK), block_expert



def kernel(positions, hidden_states, w_ln1, w_qkv, w_qn, w_kn, w_o, w_ln2,
           w_gate, w_g, w_u, w_d):
    del positions
    q3, k3, v3 = _qkv_prep(hidden_states, w_ln1, w_qkv, w_qn, w_kn)
    o3 = _flash(q3, k3, v3)
    attn = o3.transpose(1, 0, 2).reshape(T, NH * HD)
    hs, h2, topk_idx, topw = _post_attn(attn, hidden_states, w_o, w_ln2, w_gate)
    slots_of_token, block_expert = _route_metadata(topk_idx)
    x_sorted = _sc_dispatch(h2, slots_of_token)
    y_sorted = _ffn(block_expert, x_sorted, w_g, w_u, w_d)
    slots_cat = jnp.concatenate(
        [slots_of_token[:, 0], slots_of_token[:, 1]], axis=0)
    yg = _sc_gather(y_sorted, slots_cat, NS)
    return _combine(hs, yg[:T], yg[T:], topw)

# --- scband reference (transcript-rebuilt; emitter-appended) ---
"""Pipeline reference for scband-qwen3-moe-decoder-layer-40759239639575 (READ-ONLY COPY).

The authoritative reference and input builder live on the scoring server;
editing this copy changes nothing except your own understanding.
"""

import jax, jax.numpy as jnp
import numpy as np

T = 2048
H = 1024
NH = 16
NKV = 4
HD = 64
E = 64
TOPK = 2
I = 512
EPS = 1e-6
THETA = 1000000.0


def _rmsnorm(x, w):
    xf = x.astype(jnp.float32)
    return (xf * jax.lax.rsqrt(jnp.mean(xf * xf, axis=-1, keepdims=True) + EPS)) * w


def _rope(pos, x):
    half = HD // 2
    inv = 1.0 / (THETA ** (jnp.arange(half, dtype=jnp.float32) / half))
    f = pos.astype(jnp.float32)[:, None] * inv[None, :]
    cos = jnp.cos(f)[:, None, :]
    sin = jnp.sin(f)[:, None, :]
    x1 = x[..., :half]
    x2 = x[..., half:]
    return jnp.concatenate([x1 * cos - x2 * sin, x2 * cos + x1 * sin], axis=-1)


def _forward(hidden_states, positions, w_ln1, w_qkv, w_qn, w_kn, w_o, w_ln2, w_gate, w_g, w_u, w_d, topk_idx_np):
    # input RMSNorm
    h = _rmsnorm(hidden_states, w_ln1)
    # fused QKV projection
    qkv = h @ w_qkv.T
    q = qkv[:, :NH * HD].reshape(T, NH, HD)
    k = qkv[:, NH * HD:NH * HD + NKV * HD].reshape(T, NKV, HD)
    v = qkv[:, NH * HD + NKV * HD:].reshape(T, NKV, HD)
    # per-head QK-norm (Qwen3 style)
    q = _rmsnorm(q, w_qn)
    k = _rmsnorm(k, w_kn)
    # neox-style RoPE
    q = _rope(positions, q)
    k = _rope(positions, k)
    # GQA: repeat KV heads
    rep = NH // NKV
    k = jnp.repeat(k, rep, axis=1)
    v = jnp.repeat(v, rep, axis=1)
    q = q.transpose(1, 0, 2)
    k = k.transpose(1, 0, 2)
    v = v.transpose(1, 0, 2)
    scores = (q @ k.transpose(0, 2, 1)) * (HD ** -0.5)
    mask = jnp.tril(jnp.ones((T, T), dtype=bool))
    scores = jnp.where(mask[None, :, :], scores, -1e9)
    attn = jax.nn.softmax(scores, axis=-1) @ v
    attn = attn.transpose(1, 0, 2).reshape(T, NH * HD)
    hs = hidden_states + attn @ w_o.T
    # post-attention RMSNorm
    h2 = _rmsnorm(hs, w_ln2)
    # MoE router
    logits = h2 @ w_gate.T
    probs = jax.nn.softmax(logits, axis=-1)
    if topk_idx_np is None:
        topk_vals, topk_idx = jax.lax.top_k(probs, TOPK)
    else:
        topk_idx = jnp.asarray(topk_idx_np)
        topk_vals = jnp.take_along_axis(probs, topk_idx, axis=1)
    # renormalize (norm_topk_prob=True)
    topk_vals = topk_vals / jnp.sum(topk_vals, axis=-1, keepdims=True)
    # sparse dispatch: per-expert gather -> SwiGLU FFN -> weighted scatter-add
    # (fixed-shape masked form: each token routes to an expert at most once,
    # so the (T, E) routing weight matrix is an exact one-hot reduction)
    expert_w = jnp.sum(
        jax.nn.one_hot(topk_idx, E, dtype=topk_vals.dtype) * topk_vals[..., None],
        axis=1,
    )

    def _expert_body(out, xs):
        wg_e, wu_e, wd_e, we = xs
        ge = jax.nn.silu(h2 @ wg_e.T) * (h2 @ wu_e.T)
        ye = ge @ wd_e.T
        return out + we[:, None] * ye, None

    out, _ = jax.lax.scan(
        _expert_body,
        jnp.zeros((T, H), dtype=jnp.float32),
        (w_g, w_u, w_d, expert_w.T),
    )
    return hs + out, topk_idx


def setup_inputs(seed: int = 0) -> dict:
    key = jax.random.key(seed)
    ks = jax.random.split(key, 8)
    s = 0.02
    inp = {}
    inp['positions'] = jnp.arange(T)
    inp['hidden_states'] = jax.random.normal(ks[0], (T, H), dtype=jnp.float32)
    inp['w_ln1'] = jnp.ones((H,), jnp.float32)
    inp['w_qkv'] = jax.random.normal(ks[1], ((NH + 2 * NKV) * HD, H), dtype=jnp.float32) * s
    inp['w_qn'] = jnp.ones((HD,), jnp.float32)
    inp['w_kn'] = jnp.ones((HD,), jnp.float32)
    inp['w_o'] = jax.random.normal(ks[2], (H, NH * HD), dtype=jnp.float32) * s
    inp['w_ln2'] = jnp.ones((H,), jnp.float32)
    inp['w_gate'] = jax.random.normal(ks[3], (E, H), dtype=jnp.float32) * s
    inp['w_g'] = jax.random.normal(ks[4], (E, I, H), dtype=jnp.float32) * s
    inp['w_u'] = jax.random.normal(ks[5], (E, I, H), dtype=jnp.float32) * s
    inp['w_d'] = jax.random.normal(ks[6], (E, H, I), dtype=jnp.float32) * s
    return inp


def reference(positions, hidden_states, w_ln1, w_qkv, w_qn, w_kn, w_o, w_ln2, w_gate, w_g, w_u, w_d):
    out, _ = _forward(hidden_states, positions, w_ln1, w_qkv, w_qn, w_kn, w_o, w_ln2, w_gate, w_g, w_u, w_d, None)
    return out

if __name__ == "__main__":
    import jax
    _d = setup_inputs()
    print(jax.jit(kernel)(*tuple(_d.values())))

</pallas_src>

<mosaic_0001>
#map = affine_map<(d0, d1) -> (0, 0)>
#map1 = affine_map<(d0, d1) -> (0, 0, 0)>
module attributes {stable_mosaic.version = 14 : i64} {
  func.func @k(%arg0: i32, %arg1: i32, %arg2: memref<2048x1024xf32, #tpu.memory_space<hbm>>, %arg3: memref<32x2x64xi32, #tpu.memory_space<hbm>>, %arg4: memref<8192x1024xf32, #tpu.memory_space<hbm>>, %arg5: memref<2x64xi32, #tpu.memory_space<vmem>>, %arg6: memref<64x1024xf32, #tpu.memory_space<vmem>>, %arg7: memref<!tpu.dma_semaphore, #tpu.memory_space<semaphore_mem>>, %arg8: memref<!tpu.dma_semaphore, #tpu.memory_space<semaphore_mem>>) attributes {dimension_semantics = [#tpu.dimension_semantics<core_parallel>, #tpu.dimension_semantics<subcore_parallel>], iteration_bounds = array<i64: 2, 16>, scalar_prefetch = 0 : i64, scratch_operands = 4 : i64, tpu.core_type = #tpu.core_type<sc_vector_subcore>, window_params = [{transform_indices = #map}, {transform_indices = #map1}, {transform_indices = #map}]} {
    %mul3A = arith.constant 2 : i32
    %mul3A_0 = arith.muli %arg1, %mul3A : i32
    %add3A = arith.addi %mul3A_0, %arg0 : i32
    "tpu.region"() ({
      %run_scoped3A = tpu.sem_alloc : memref<!tpu.dma_semaphore, #tpu.memory_space<semaphore_mem>>
      %dma_start3A_29 = arith.constant 0 : i32
      %dma_start3A_30 = arith.constant 0 : i32
      %dma_start3A_31 = tpu.memref_slice %arg3[%add3A, %dma_start3A_29, %dma_start3A_30] : memref<32x2x64xi32, #tpu.memory_space<hbm>> -> memref<1x2x64xi32, #tpu.memory_space<hbm>>
      %dma_start3A_32 = tpu.memref_squeeze %dma_start3A_31 : memref<1x2x64xi32, #tpu.memory_space<hbm>> -> memref<2x64xi32, #tpu.memory_space<hbm>>
      %dma_start3A_33 = arith.constant 0 : i32
      %dma_start3A_34 = arith.constant 0 : i32
      %dma_start3A_35 = tpu.memref_slice %arg3[%add3A, %dma_start3A_33, %dma_start3A_34] : memref<32x2x64xi32, #tpu.memory_space<hbm>> -> memref<1x2x64xi32, #tpu.memory_space<hbm>>
      %dma_start3A_36 = tpu.memref_squeeze %dma_start3A_35 : memref<1x2x64xi32, #tpu.memory_space<hbm>> -> memref<2x64xi32, #tpu.memory_space<hbm>>
      tpu.enqueue_dma source(%dma_start3A_36 : memref<2x64xi32, #tpu.memory_space<hbm>>) target(%arg5 : memref<2x64xi32, #tpu.memory_space<vmem>>) target_semaphore(%run_scoped3A : memref<!tpu.dma_semaphore, #tpu.memory_space<semaphore_mem>>)
      %dma_wait3A_37 = arith.constant 0 : i32
      %dma_wait3A_38 = arith.constant 0 : i32
      %dma_wait3A_39 = tpu.memref_slice %arg3[%add3A, %dma_wait3A_37, %dma_wait3A_38] : memref<32x2x64xi32, #tpu.memory_space<hbm>> -> memref<1x2x64xi32, #tpu.memory_space<hbm>>
      %dma_wait3A_40 = tpu.memref_squeeze %dma_wait3A_39 : memref<1x2x64xi32, #tpu.memory_space<hbm>> -> memref<2x64xi32, #tpu.memory_space<hbm>>
      %dma_wait3A_41 = arith.constant 0 : i32
      %dma_wait3A_42 = arith.constant 0 : i32
      %dma_wait3A_43 = tpu.memref_slice %arg3[%add3A, %dma_wait3A_41, %dma_wait3A_42] : memref<32x2x64xi32, #tpu.memory_space<hbm>> -> memref<1x2x64xi32, #tpu.memory_space<hbm>>
      %dma_wait3A_44 = tpu.memref_squeeze %dma_wait3A_43 : memref<1x2x64xi32, #tpu.memory_space<hbm>> -> memref<2x64xi32, #tpu.memory_space<hbm>>
      tpu.wait_dma2 semaphore(%run_scoped3A : memref<!tpu.dma_semaphore, #tpu.memory_space<semaphore_mem>>) src(%dma_wait3A_44 : memref<2x64xi32, #tpu.memory_space<hbm>>) dst(%arg5 : memref<2x64xi32, #tpu.memory_space<vmem>>)
      tpu.yield
    }) : () -> ()
    %mul3A_1 = arith.constant 64 : i32
    %mul3A_2 = arith.muli %add3A, %mul3A_1 : i32
    "tpu.region"() ({
      %run_scoped3A = tpu.sem_alloc : memref<!tpu.dma_semaphore, #tpu.memory_space<semaphore_mem>>
      %dma_start3A_29 = arith.constant 0 : i32
      %dma_start3A_30 = tpu.memref_slice %arg2[%mul3A_2, %dma_start3A_29] : memref<2048x1024xf32, #tpu.memory_space<hbm>> -> memref<64x1024xf32, #tpu.memory_space<hbm>>
      %dma_start3A_31 = arith.constant 0 : i32
      %dma_start3A_32 = tpu.memref_slice %arg2[%mul3A_2, %dma_start3A_31] : memref<2048x1024xf32, #tpu.memory_space<hbm>> -> memref<64x1024xf32, #tpu.memory_space<hbm>>
      tpu.enqueue_dma source(%dma_start3A_32 : memref<64x1024xf32, #tpu.memory_space<hbm>>) target(%arg6 : memref<64x1024xf32, #tpu.memory_space<vmem>>) target_semaphore(%run_scoped3A : memref<!tpu.dma_semaphore, #tpu.memory_space<semaphore_mem>>)
      %dma_wait3A_33 = arith.constant 0 : i32
      %dma_wait3A_34 = tpu.memref_slice %arg2[%mul3A_2, %dma_wait3A_33] : memref<2048x1024xf32, #tpu.memory_space<hbm>> -> memref<64x1024xf32, #tpu.memory_space<hbm>>
      %dma_wait3A_35 = arith.constant 0 : i32
      %dma_wait3A_36 = tpu.memref_slice %arg2[%mul3A_2, %dma_wait3A_35] : memref<2048x1024xf32, #tpu.memory_space<hbm>> -> memref<64x1024xf32, #tpu.memory_space<hbm>>
      tpu.wait_dma2 semaphore(%run_scoped3A : memref<!tpu.dma_semaphore, #tpu.memory_space<semaphore_mem>>) src(%dma_wait3A_36 : memref<64x1024xf32, #tpu.memory_space<hbm>>) dst(%arg6 : memref<64x1024xf32, #tpu.memory_space<vmem>>)
      tpu.yield
    }) : () -> ()
    %dma_start3A = arith.constant 0 : i32
    %dma_start3A_3 = arith.constant 0 : i32
    %dma_start3A_4 = tpu.memref_slice %arg5[%dma_start3A, %dma_start3A_3] : memref<2x64xi32, #tpu.memory_space<vmem>> -> memref<1x64xi32, #tpu.memory_space<vmem>>
    %dma_start3A_5 = tpu.memref_squeeze %dma_start3A_4 : memref<1x64xi32, #tpu.memory_space<vmem>> -> memref<64xi32, #tpu.memory_space<vmem>>
    %dma_start3A_6 = arith.constant 0 : i32
    %dma_start3A_7 = arith.constant 0 : i32
    %dma_start3A_8 = tpu.memref_slice %arg4[%dma_start3A_6, %dma_start3A_7] : memref<8192x1024xf32, #tpu.memory_space<hbm>> -> memref<8192x1024xf32, #tpu.memory_space<hbm>>
    tpu.enqueue_indirect_dma source(%arg6 : memref<64x1024xf32, #tpu.memory_space<vmem>>) target(%dma_start3A_8 : memref<8192x1024xf32, #tpu.memory_space<hbm>>) offsets(%dma_start3A_5 : memref<64xi32, #tpu.memory_space<vmem>>) semaphore(%arg7 : memref<!tpu.dma_semaphore, #tpu.memory_space<semaphore_mem>>)
    %dma_start3A_9 = arith.constant 1 : i32
    %dma_start3A_10 = arith.constant 0 : i32
    %dma_start3A_11 = tpu.memref_slice %arg5[%dma_start3A_9, %dma_start3A_10] : memref<2x64xi32, #tpu.memory_space<vmem>> -> memref<1x64xi32, #tpu.memory_space<vmem>>
    %dma_start3A_12 = tpu.memref_squeeze %dma_start3A_11 : memref<1x64xi32, #tpu.memory_space<vmem>> -> memref<64xi32, #tpu.memory_space<vmem>>
    %dma_start3A_13 = arith.constant 0 : i32
    %dma_start3A_14 = arith.constant 0 : i32
    %dma_start3A_15 = tpu.memref_slice %arg4[%dma_start3A_13, %dma_start3A_14] : memref<8192x1024xf32, #tpu.memory_space<hbm>> -> memref<8192x1024xf32, #tpu.memory_space<hbm>>
    tpu.enqueue_indirect_dma source(%arg6 : memref<64x1024xf32, #tpu.memory_space<vmem>>) target(%dma_start3A_15 : memref<8192x1024xf32, #tpu.memory_space<hbm>>) offsets(%dma_start3A_12 : memref<64xi32, #tpu.memory_space<vmem>>) semaphore(%arg8 : memref<!tpu.dma_semaphore, #tpu.memory_space<semaphore_mem>>)
    %dma_wait3A = arith.constant 0 : i32
    %dma_wait3A_16 = arith.constant 0 : i32
    %dma_wait3A_17 = tpu.memref_slice %arg5[%dma_wait3A, %dma_wait3A_16] : memref<2x64xi32, #tpu.memory_space<vmem>> -> memref<1x64xi32, #tpu.memory_space<vmem>>
    %dma_wait3A_18 = tpu.memref_squeeze %dma_wait3A_17 : memref<1x64xi32, #tpu.memory_space<vmem>> -> memref<64xi32, #tpu.memory_space<vmem>>
    %dma_wait3A_19 = arith.constant 0 : i32
    %dma_wait3A_20 = arith.constant 0 : i32
    %dma_wait3A_21 = tpu.memref_slice %arg4[%dma_wait3A_19, %dma_wait3A_20] : memref<8192x1024xf32, #tpu.memory_space<hbm>> -> memref<8192x1024xf32, #tpu.memory_space<hbm>>
    tpu.wait_indirect_dma semaphore(%arg7 : memref<!tpu.dma_semaphore, #tpu.memory_space<semaphore_mem>>) src(%arg6 : memref<64x1024xf32, #tpu.memory_space<vmem>>) dst(%dma_wait3A_21 : memref<8192x1024xf32, #tpu.memory_space<hbm>>)
    %dma_wait3A_22 = arith.constant 1 : i32
    %dma_wait3A_23 = arith.constant 0 : i32
    %dma_wait3A_24 = tpu.memref_slice %arg5[%dma_wait3A_22, %dma_wait3A_23] : memref<2x64xi32, #tpu.memory_space<vmem>> -> memref<1x64xi32, #tpu.memory_space<vmem>>
    %dma_wait3A_25 = tpu.memref_squeeze %dma_wait3A_24 : memref<1x64xi32, #tpu.memory_space<vmem>> -> memref<64xi32, #tpu.memory_space<vmem>>
    %dma_wait3A_26 = arith.constant 0 : i32
    %dma_wait3A_27 = arith.constant 0 : i32
    %dma_wait3A_28 = tpu.memref_slice %arg4[%dma_wait3A_26, %dma_wait3A_27] : memref<8192x1024xf32, #tpu.memory_space<hbm>> -> memref<8192x1024xf32, #tpu.memory_space<hbm>>
    tpu.wait_indirect_dma semaphore(%arg8 : memref<!tpu.dma_semaphore, #tpu.memory_space<semaphore_mem>>) src(%arg6 : memref<64x1024xf32, #tpu.memory_space<vmem>>) dst(%dma_wait3A_28 : memref<8192x1024xf32, #tpu.memory_space<hbm>>)
    return
  }
}

#map = affine_map<(d0, d1) -> (0, 0)>
#map1 = affine_map<(d0, d1) -> (0)>
module attributes {stable_mosaic.version = 14 : i64} {
  func.func @k(%arg0: i32, %arg1: i32, %arg2: memref<8192x1024xf32, #tpu.memory_space<hbm>>, %arg3: memref<4096xi32, #tpu.memory_space<hbm>>, %arg4: memref<4096x1024xf32, #tpu.memory_space<hbm>>, %arg5: memref<128xi32, #tpu.memory_space<vmem>>, %arg6: memref<56x1024xf32, #tpu.memory_space<vmem>>, %arg7: memref<56x1024xf32, #tpu.memory_space<vmem>>, %arg8: memref<!tpu.dma_semaphore, #tpu.memory_space<semaphore_mem>>, %arg9: memref<!tpu.dma_semaphore, #tpu.memory_space<semaphore_mem>>) attributes {dimension_semantics = [#tpu.dimension_semantics<core_parallel>, #tpu.dimension_semantics<subcore_parallel>], iteration_bounds = array<i64: 2, 16>, scalar_prefetch = 0 : i64, scratch_operands = 5 : i64, tpu.core_type = #tpu.core_type<sc_vector_subcore>, window_params = [{transform_indices = #map}, {transform_indices = #map1}, {transform_indices = #map}]} {
    %mul3A = arith.constant 2 : i32
    %mul3A_0 = arith.muli %arg1, %mul3A : i32
    %add3A = arith.addi %mul3A_0, %arg0 : i32
    %mul3A_1 = arith.constant 128 : i32
    %mul3A_2 = arith.muli %add3A, %mul3A_1 : i32
    "tpu.region"() ({
      %run_scoped3A = tpu.sem_alloc : memref<!tpu.dma_semaphore, #tpu.memory_space<semaphore_mem>>
      %dma_start3A_115 = tpu.memref_slice %arg3[%mul3A_2] : memref<4096xi32, #tpu.memory_space<hbm>> -> memref<128xi32, #tpu.memory_space<hbm>>
      %dma_start3A_116 = tpu.memref_slice %arg3[%mul3A_2] : memref<4096xi32, #tpu.memory_space<hbm>> -> memref<128xi32, #tpu.memory_space<hbm>>
      tpu.enqueue_dma source(%dma_start3A_116 : memref<128xi32, #tpu.memory_space<hbm>>) target(%arg5 : memref<128xi32, #tpu.memory_space<vmem>>) target_semaphore(%run_scoped3A : memref<!tpu.dma_semaphore, #tpu.memory_space<semaphore_mem>>)
      %dma_wait3A_117 = tpu.memref_slice %arg3[%mul3A_2] : memref<4096xi32, #tpu.memory_space<hbm>> -> memref<128xi32, #tpu.memory_space<hbm>>
      %dma_wait3A_118 = tpu.memref_slice %arg3[%mul3A_2] : memref<4096xi32, #tpu.memory_space<hbm>> -> memref<128xi32, #tpu.memory_space<hbm>>
      tpu.wait_dma2 semaphore(%run_scoped3A : memref<!tpu.dma_semaphore, #tpu.memory_space<semaphore_mem>>) src(%dma_wait3A_118 : memref<128xi32, #tpu.memory_space<hbm>>) dst(%arg5 : memref<128xi32, #tpu.memory_space<vmem>>)
      tpu.yield
    }) : () -> ()
    %dma_start3A = arith.constant 0 : i32
    %dma_start3A_3 = arith.constant 0 : i32
    %dma_start3A_4 = tpu.memref_slice %arg6[%dma_start3A, %dma_start3A_3] : memref<56x1024xf32, #tpu.memory_space<vmem>> -> memref<56x1024xf32, #tpu.memory_space<vmem>>
    %dma_start3A_5 = arith.constant 0 : i32
    %dma_start3A_6 = tpu.memref_slice %arg5[%dma_start3A_5] : memref<128xi32, #tpu.memory_space<vmem>> -> memref<56xi32, #tpu.memory_space<vmem>>
    %dma_start3A_7 = arith.constant 0 : i32
    %dma_start3A_8 = arith.constant 0 : i32
    %dma_start3A_9 = tpu.memref_slice %arg2[%dma_start3A_7, %dma_start3A_8] : memref<8192x1024xf32, #tpu.memory_space<hbm>> -> memref<8192x1024xf32, #tpu.memory_space<hbm>>
    tpu.enqueue_indirect_dma source(%dma_start3A_9 : memref<8192x1024xf32, #tpu.memory_space<hbm>>) target(%dma_start3A_4 : memref<56x1024xf32, #tpu.memory_space<vmem>>) offsets(%dma_start3A_6 : memref<56xi32, #tpu.memory_space<vmem>>) semaphore(%arg8 : memref<!tpu.dma_semaphore, #tpu.memory_space<semaphore_mem>>)
    %dma_start3A_10 = arith.constant 0 : i32
    %dma_start3A_11 = arith.constant 0 : i32
    %dma_start3A_12 = tpu.memref_slice %arg7[%dma_start3A_10, %dma_start3A_11] : memref<56x1024xf32, #tpu.memory_space<vmem>> -> memref<56x1024xf32, #tpu.memory_space<vmem>>
    %dma_start3A_13 = arith.constant 56 : i32
    %dma_start3A_14 = tpu.memref_slice %arg5[%dma_start3A_13] : memref<128xi32, #tpu.memory_space<vmem>> -> memref<56xi32, #tpu.memory_space<vmem>>
    %dma_start3A_15 = arith.constant 0 : i32
    %dma_start3A_16 = arith.constant 0 : i32
    %dma_start3A_17 = tpu.memref_slice %arg2[%dma_start3A_15, %dma_start3A_16] : memref<8192x1024xf32, #tpu.memory_space<hbm>> -> memref<8192x1024xf32, #tpu.memory_space<hbm>>
    tpu.enqueue_indirect_dma source(%dma_start3A_17 : memref<8192x1024xf32, #tpu.memory_space<hbm>>) target(%dma_start3A_12 : memref<56x1024xf32, #tpu.memory_space<vmem>>) offsets(%dma_start3A_14 : memref<56xi32, #tpu.memory_space<vmem>>) semaphore(%arg8 : memref<!tpu.dma_semaphore, #tpu.memory_space<semaphore_mem>>)
    %dma_wait3A = arith.constant 0 : i32
    %dma_wait3A_18 = arith.constant 0 : i32
    %dma_wait3A_19 = tpu.memref_slice %arg6[%dma_wait3A, %dma_wait3A_18] : memref<56x1024xf32, #tpu.memory_space<vmem>> -> memref<56x1024xf32, #tpu.memory_space<vmem>>
    %dma_wait3A_20 = arith.constant 0 : i32
    %dma_wait3A_21 = tpu.memref_slice %arg5[%dma_wait3A_20] : memref<128xi32, #tpu.memory_space<vmem>> -> memref<56xi32, #tpu.memory_space<vmem>>
    %dma_wait3A_22 = arith.constant 0 : i32
    %dma_wait3A_23 = arith.constant 0 : i32
    %dma_wait3A_24 = tpu.memref_slice %arg2[%dma_wait3A_22, %dma_wait3A_23] : memref<8192x1024xf32, #tpu.memory_space<hbm>> -> memref<8192x1024xf32, #tpu.memory_space<hbm>>
    tpu.wait_indirect_dma semaphore(%arg8 : memref<!tpu.dma_semaphore, #tpu.memory_space<semaphore_mem>>) src(%dma_wait3A_24 : memref<8192x1024xf32, #tpu.memory_space<hbm>>) dst(%dma_wait3A_19 : memref<56x1024xf32, #tpu.memory_space<vmem>>)
    %add3A_25 = arith.constant 0 : i32
    %add3A_26 = arith.addi %mul3A_2, %add3A_25 : i32
    %dma_start3A_27 = arith.constant 0 : i32
    %dma_start3A_28 = arith.constant 0 : i32
    %dma_start3A_29 = tpu.memref_slice %arg6[%dma_start3A_27, %dma_start3A_28] : memref<56x1024xf32, #tpu.memory_space<vmem>> -> memref<56x1024xf32, #tpu.memory_space<vmem>>
    %dma_start3A_30 = arith.constant 0 : i32
    %dma_start3A_31 = tpu.memref_slice %arg4[%add3A_26, %dma_start3A_30] : memref<4096x1024xf32, #tpu.memory_space<hbm>> -> memref<56x1024xf32, #tpu.memory_space<hbm>>
    %dma_start3A_32 = arith.constant 0 : i32
    %dma_start3A_33 = tpu.memref_slice %arg4[%add3A_26, %dma_start3A_32] : memref<4096x1024xf32, #tpu.memory_space<hbm>> -> memref<56x1024xf32, #tpu.memory_space<hbm>>
    %dma_start3A_34 = arith.constant 0 : i32
    %dma_start3A_35 = arith.constant 0 : i32
    %dma_start3A_36 = tpu.memref_slice %arg6[%dma_start3A_34, %dma_start3A_35] : memref<56x1024xf32, #tpu.memory_space<vmem>> -> memref<56x1024xf32, #tpu.memory_space<vmem>>
    tpu.enqueue_dma source(%dma_start3A_36 : memref<56x1024xf32, #tpu.memory_space<vmem>>) target(%dma_start3A_33 : memref<56x1024xf32, #tpu.memory_space<hbm>>) target_semaphore(%arg9 : memref<!tpu.dma_semaphore, #tpu.memory_space<semaphore_mem>>)
    %dma_wait3A_37 = arith.constant 0 : i32
    %dma_wait3A_38 = arith.constant 0 : i32
    %dma_wait3A_39 = tpu.memref_slice %arg6[%dma_wait3A_37, %dma_wait3A_38] : memref<56x1024xf32, #tpu.memory_space<vmem>> -> memref<56x1024xf32, #tpu.memory_space<vmem>>
    %dma_wait3A_40 = arith.constant 0 : i32
    %dma_wait3A_41 = tpu.memref_slice %arg4[%add3A_26, %dma_wait3A_40] : memref<4096x1024xf32, #tpu.memory_space<hbm>> -> memref<56x1024xf32, #tpu.memory_space<hbm>>
    %dma_wait3A_42 = arith.constant 0 : i32
    %dma_wait3A_43 = tpu.memref_slice %arg4[%add3A_26, %dma_wait3A_42] : memref<4096x1024xf32, #tpu.memory_space<hbm>> -> memref<56x1024xf32, #tpu.memory_space<hbm>>
    %dma_wait3A_44 = arith.constant 0 : i32
    %dma_wait3A_45 = arith.constant 0 : i32
    %dma_wait3A_46 = tpu.memref_slice %arg6[%dma_wait3A_44, %dma_wait3A_45] : memref<56x1024xf32, #tpu.memory_space<vmem>> -> memref<56x1024xf32, #tpu.memory_space<vmem>>
    tpu.wait_dma2 semaphore(%arg9 : memref<!tpu.dma_semaphore, #tpu.memory_space<semaphore_mem>>) src(%dma_wait3A_46 : memref<56x1024xf32, #tpu.memory_space<vmem>>) dst(%dma_wait3A_43 : memref<56x1024xf32, #tpu.memory_space<hbm>>)
    %dma_start3A_47 = arith.constant 0 : i32
    %dma_start3A_48 = arith.constant 0 : i32
    %dma_start3A_49 = tpu.memref_slice %arg6[%dma_start3A_47, %dma_start3A_48] : memref<56x1024xf32, #tpu.memory_space<vmem>> -> memref<16x1024xf32, #tpu.memory_space<vmem>>
    %dma_start3A_50 = arith.constant 112 : i32
    %dma_start3A_51 = tpu.memref_slice %arg5[%dma_start3A_50] : memref<128xi32, #tpu.memory_space<vmem>> -> memref<16xi32, #tpu.memory_space<vmem>>
    %dma_start3A_52 = arith.constant 0 : i32
    %dma_start3A_53 = arith.constant 0 : i32
    %dma_start3A_54 = tpu.memref_slice %arg2[%dma_start3A_52, %dma_start3A_53] : memref<8192x1024xf32, #tpu.memory_space<hbm>> -> memref<8192x1024xf32, #tpu.memory_space<hbm>>
    tpu.enqueue_indirect_dma source(%dma_start3A_54 : memref<8192x1024xf32, #tpu.memory_space<hbm>>) target(%dma_start3A_49 : memref<16x1024xf32, #tpu.memory_space<vmem>>) offsets(%dma_start3A_51 : memref<16xi32, #tpu.memory_space<vmem>>) semaphore(%arg8 : memref<!tpu.dma_semaphore, #tpu.memory_space<semaphore_mem>>)
    %dma_wait3A_55 = arith.constant 0 : i32
    %dma_wait3A_56 = arith.constant 0 : i32
    %dma_wait3A_57 = tpu.memref_slice %arg7[%dma_wait3A_55, %dma_wait3A_56] : memref<56x1024xf32, #tpu.memory_space<vmem>> -> memref<56x1024xf32, #tpu.memory_space<vmem>>
    %dma_wait3A_58 = arith.constant 56 : i32
    %dma_wait3A_59 = tpu.memref_slice %arg5[%dma_wait3A_58] : memref<128xi32, #tpu.memory_space<vmem>> -> memref<56xi32, #tpu.memory_space<vmem>>
    %dma_wait3A_60 = arith.constant 0 : i32
    %dma_wait3A_61 = arith.constant 0 : i32
    %dma_wait3A_62 = tpu.memref_slice %arg2[%dma_wait3A_60, %dma_wait3A_61] : memref<8192x1024xf32, #tpu.memory_space<hbm>> -> memref<8192x1024xf32, #tpu.memory_space<hbm>>
    tpu.wait_indirect_dma semaphore(%arg8 : memref<!tpu.dma_semaphore, #tpu.memory_space<semaphore_mem>>) src(%dma_wait3A_62 : memref<8192x1024xf32, #tpu.memory_space<hbm>>) dst(%dma_wait3A_57 : memref<56x1024xf32, #tpu.memory_space<vmem>>)
    %add3A_63 = arith.constant 56 : i32
    %add3A_64 = arith.addi %mul3A_2, %add3A_63 : i32
    %dma_start3A_65 = arith.constant 0 : i32
    %dma_start3A_66 = arith.constant 0 : i32
    %dma_start3A_67 = tpu.memref_slice %arg7[%dma_start3A_65, %dma_start3A_66] : memref<56x1024xf32, #tpu.memory_space<vmem>> -> memref<56x1024xf32, #tpu.memory_space<vmem>>
    %dma_start3A_68 = arith.constant 0 : i32
    %dma_start3A_69 = tpu.memref_slice %arg4[%add3A_64, %dma_start3A_68] : memref<4096x1024xf32, #tpu.memory_space<hbm>> -> memref<56x1024xf32, #tpu.memory_space<hbm>>
    %dma_start3A_70 = arith.constant 0 : i32
    %dma_start3A_71 = tpu.memref_slice %arg4[%add3A_64, %dma_start3A_70] : memref<4096x1024xf32, #tpu.memory_space<hbm>> -> memref<56x1024xf32, #tpu.memory_space<hbm>>
    %dma_start3A_72 = arith.constant 0 : i32
    %dma_start3A_73 = arith.constant 0 : i32
    %dma_start3A_74 = tpu.memref_slice %arg7[%dma_start3A_72, %dma_start3A_73] : memref<56x1024xf32, #tpu.memory_space<vmem>> -> memref<56x1024xf32, #tpu.memory_space<vmem>>
    tpu.enqueue_dma source(%dma_start3A_74 : memref<56x1024xf32, #tpu.memory_space<vmem>>) target(%dma_start3A_71 : memref<56x1024xf32, #tpu.memory_space<hbm>>) target_semaphore(%arg9 : memref<!tpu.dma_semaphore, #tpu.memory_space<semaphore_mem>>)
    %dma_wait3A_75 = arith.constant 0 : i32
    %dma_wait3A_76 = arith.constant 0 : i32
    %dma_wait3A_77 = tpu.memref_slice %arg6[%dma_wait3A_75, %dma_wait3A_76] : memref<56x1024xf32, #tpu.memory_space<vmem>> -> memref<16x1024xf32, #tpu.memory_space<vmem>>
    %dma_wait3A_78 = arith.constant 112 : i32
    %dma_wait3A_79 = tpu.memref_slice %arg5[%dma_wait3A_78] : memref<128xi32, #tpu.memory_space<vmem>> -> memref<16xi32, #tpu.memory_space<vmem>>
    %dma_wait3A_80 = arith.constant 0 : i32
    %dma_wait3A_81 = arith.constant 0 : i32
    %dma_wait3A_82 = tpu.memref_slice %arg2[%dma_wait3A_80, %dma_wait3A_81] : memref<8192x1024xf32, #tpu.memory_space<hbm>> -> memref<8192x1024xf32, #tpu.memory_space<hbm>>
    tpu.wait_indirect_dma semaphore(%arg8 : memref<!tpu.dma_semaphore, #tpu.memory_space<semaphore_mem>>) src(%dma_wait3A_82 : memref<8192x1024xf32, #tpu.memory_space<hbm>>) dst(%dma_wait3A_77 : memref<16x1024xf32, #tpu.memory_space<vmem>>)
    %add3A_83 = arith.constant 112 : i32
    %add3A_84 = arith.addi %mul3A_2, %add3A_83 : i32
    %dma_start3A_85 = arith.constant 0 : i32
    %dma_start3A_86 = arith.constant 0 : i32
    %dma_start3A_87 = tpu.memref_slice %arg6[%dma_start3A_85, %dma_start3A_86] : memref<56x1024xf32, #tpu.memory_space<vmem>> -> memref<16x1024xf32, #tpu.memory_space<vmem>>
    %dma_start3A_88 = arith.constant 0 : i32
    %dma_start3A_89 = tpu.memref_slice %arg4[%add3A_84, %dma_start3A_88] : memref<4096x1024xf32, #tpu.memory_space<hbm>> -> memref<16x1024xf32, #tpu.memory_space<hbm>>
    %dma_start3A_90 = arith.constant 0 : i32
    %dma_start3A_91 = tpu.memref_slice %arg4[%add3A_84, %dma_start3A_90] : memref<4096x1024xf32, #tpu.memory_space<hbm>> -> memref<16x1024xf32, #tpu.memory_space<hbm>>
    %dma_start3A_92 = arith.constant 0 : i32
    %dma_start3A_93 = arith.constant 0 : i32
    %dma_start3A_94 = tpu.memref_slice %arg6[%dma_start3A_92, %dma_start3A_93] : memref<56x1024xf32, #tpu.memory_space<vmem>> -> memref<16x1024xf32, #tpu.memory_space<vmem>>
    tpu.enqueue_dma source(%dma_start3A_94 : memref<16x1024xf32, #tpu.memory_space<vmem>>) target(%dma_start3A_91 : memref<16x1024xf32, #tpu.memory_space<hbm>>) target_semaphore(%arg9 : memref<!tpu.dma_semaphore, #tpu.memory_space<semaphore_mem>>)
    %dma_wait3A_95 = arith.constant 0 : i32
    %dma_wait3A_96 = arith.constant 0 : i32
    %dma_wait3A_97 = tpu.memref_slice %arg6[%dma_wait3A_95, %dma_wait3A_96] : memref<56x1024xf32, #tpu.memory_space<vmem>> -> memref<16x1024xf32, #tpu.memory_space<vmem>>
    %dma_wait3A_98 = arith.constant 0 : i32
    %dma_wait3A_99 = tpu.memref_slice %arg4[%add3A_84, %dma_wait3A_98] : memref<4096x1024xf32, #tpu.memory_space<hbm>> -> memref<16x1024xf32, #tpu.memory_space<hbm>>
    %dma_wait3A_100 = arith.constant 0 : i32
    %dma_wait3A_101 = tpu.memref_slice %arg4[%add3A_84, %dma_wait3A_100] : memref<4096x1024xf32, #tpu.memory_space<hbm>> -> memref<16x1024xf32, #tpu.memory_space<hbm>>
    %dma_wait3A_102 = arith.constant 0 : i32
    %dma_wait3A_103 = arith.constant 0 : i32
    %dma_wait3A_104 = tpu.memref_slice %arg6[%dma_wait3A_102, %dma_wait3A_103] : memref<56x1024xf32, #tpu.memory_space<vmem>> -> memref<16x1024xf32, #tpu.memory_space<vmem>>
    tpu.wait_dma2 semaphore(%arg9 : memref<!tpu.dma_semaphore, #tpu.memory_space<semaphore_mem>>) src(%dma_wait3A_104 : memref<16x1024xf32, #tpu.memory_space<vmem>>) dst(%dma_wait3A_101 : memref<16x1024xf32, #tpu.memory_space<hbm>>)
    %dma_wait3A_105 = arith.constant 0 : i32
    %dma_wait3A_106 = arith.constant 0 : i32
    %dma_wait3A_107 = tpu.memref_slice %arg7[%dma_wait3A_105, %dma_wait3A_106] : memref<56x1024xf32, #tpu.memory_space<vmem>> -> memref<56x1024xf32, #tpu.memory_space<vmem>>
    %dma_wait3A_108 = arith.constant 0 : i32
    %dma_wait3A_109 = tpu.memref_slice %arg4[%add3A_64, %dma_wait3A_108] : memref<4096x1024xf32, #tpu.memory_space<hbm>> -> memref<56x1024xf32, #tpu.memory_space<hbm>>
    %dma_wait3A_110 = arith.constant 0 : i32
    %dma_wait3A_111 = tpu.memref_slice %arg4[%add3A_64, %dma_wait3A_110] : memref<4096x1024xf32, #tpu.memory_space<hbm>> -> memref<56x1024xf32, #tpu.memory_space<hbm>>
    %dma_wait3A_112 = arith.constant 0 : i32
    %dma_wait3A_113 = arith.constant 0 : i32
    %dma_wait3A_114 = tpu.memref_slice %arg7[%dma_wait3A_112, %dma_wait3A_113] : memref<56x1024xf32, #tpu.memory_space<vmem>> -> memref<56x1024xf32, #tpu.memory_space<vmem>>
    tpu.wait_dma2 semaphore(%arg9 : memref<!tpu.dma_semaphore, #tpu.memory_space<semaphore_mem>>) src(%dma_wait3A_114 : memref<56x1024xf32, #tpu.memory_space<vmem>>) dst(%dma_wait3A_111 : memref<56x1024xf32, #tpu.memory_space<hbm>>)
    return
  }
}

module attributes {stable_mosaic.version = 14 : i64} {
  func.func @_flash_body(%arg0: i32, %arg1: i32, %arg2: memref<1x512x64xf32, #tpu.memory_space<vmem>>, %arg3: memref<1x2048x64xf32, #tpu.memory_space<vmem>>, %arg4: memref<1x2048x64xf32, #tpu.memory_space<vmem>>, %arg5: memref<1x512x64xf32, #tpu.memory_space<vmem>>) attributes {dimension_semantics = [#tpu.dimension_semantics<arbitrary>, #tpu.dimension_semantics<arbitrary>], iteration_bounds = array<i64: 16, 4>, scalar_prefetch = 0 : i64, scratch_operands = 0 : i64, tpu.core_type = #tpu.core_type<tc>, window_params = [{transform_indices = @transform_0, window_bounds = array<i64: 1, 512, 64>}, {transform_indices = @transform_1, window_bounds = array<i64: 1, 2048, 64>}, {transform_indices = @transform_2, window_bounds = array<i64: 1, 2048, 64>}, {transform_indices = @transform_3, window_bounds = array<i64: 1, 512, 64>}]} {
    %get3A = arith.constant 0 : index
    %get3A_0 = arith.constant 0 : index
    %get3A_1 = arith.constant 0 : index
    %get3A_2 = vector.load %arg2[%get3A, %get3A_0, %get3A_1] : memref<1x512x64xf32, #tpu.memory_space<vmem>>, vector<1x512x64xf32>
    %get3A_3 = vector.shape_cast %get3A_2 : vector<1x512x64xf32> to vector<512x64xf32>
    %mul3A = arith.constant 1.250000e-01 : f32
    %mul3A_4 = vector.broadcast %mul3A : f32 to vector<512x64xf32>
    %mul3A_5 = arith.mulf %get3A_3, %mul3A_4 : vector<512x64xf32>
    %convert_element_type3A = arith.truncf %mul3A_5 : vector<512x64xf32> to vector<512x64xbf16>
    %get3A_6 = arith.constant 0 : index
    %get3A_7 = arith.constant 0 : index
    %get3A_8 = arith.constant 0 : index
    %get3A_9 = vector.load %arg3[%get3A_6, %get3A_7, %get3A_8] : memref<1x2048x64xf32, #tpu.memory_space<vmem>>, vector<1x2048x64xf32>
    %get3A_10 = vector.shape_cast %get3A_9 : vector<1x2048x64xf32> to vector<2048x64xf32>
    %convert_element_type3A_11 = arith.truncf %get3A_10 : vector<2048x64xf32> to vector<2048x64xbf16>
    %dot_general3A = arith.constant dense<0.000000e+00> : vector<512x2048xf32>
    %dot_general3A_12 = tpu.matmul %convert_element_type3A, %convert_element_type3A_11, %dot_general3A {dimension_numbers = #tpu.dot_dimension_numbers<[1], [1], [0], [0], [0, 0, 1, 0], [], []>, transpose_lhs_hint = false} : vector<512x64xbf16>, vector<2048x64xbf16>, vector<512x2048xf32> -> vector<512x2048xf32>
    %mul3A_13 = arith.constant 512 : i32
    %mul3A_14 = arith.muli %arg1, %mul3A_13 : i32
    %iota3A = tpu.iota {dimensions = array<i32: 0>} : vector<512x2048xi32>
    %add3A = vector.broadcast %mul3A_14 : i32 to vector<512x2048xi32>
    %add3A_15 = arith.addi %add3A, %iota3A : vector<512x2048xi32>
    %iota3A_16 = tpu.iota {dimensions = array<i32: 1>} : vector<512x2048xi32>
    %le3A = arith.cmpi sle, %iota3A_16, %add3A_15 : vector<512x2048xi32>
    %jit3A = arith.constant -1.000000e+30 : f32
    %broadcast_in_dim3A = vector.broadcast %jit3A : f32 to vector<512x2048xf32>
    %select_n3A = arith.select %le3A, %dot_general3A_12, %broadcast_in_dim3A : vector<512x2048xi1>, vector<512x2048xf32>
    %reduce_max3A = arith.constant dense<0xFF800000> : vector<512xf32>
    %reduce_max3A_17 = vector.multi_reduction <maximumf>, %select_n3A, %reduce_max3A [1] : vector<512x2048xf32> to vector<512xf32>
    %broadcast_in_dim3A_18 = vector.shape_cast %reduce_max3A_17 : vector<512xf32> to vector<512x1xf32>
    %sub3A = vector.broadcast %broadcast_in_dim3A_18 : vector<512x1xf32> to vector<512x2048xf32>
    %sub3A_19 = arith.subf %select_n3A, %sub3A : vector<512x2048xf32>
    %exp3A = math.exp %sub3A_19 : vector<512x2048xf32>
    %reduce_sum3A = arith.constant dense<0.000000e+00> : vector<512xf32>
    %reduce_sum3A_20 = vector.multi_reduction <add>, %exp3A, %reduce_sum3A [1] : vector<512x2048xf32> to vector<512xf32>
    %broadcast_in_dim3A_21 = vector.shape_cast %reduce_sum3A_20 : vector<512xf32> to vector<512x1xf32>
    %get3A_22 = arith.constant 0 : index
    %get3A_23 = arith.constant 0 : index
    %get3A_24 = arith.constant 0 : index
    %get3A_25 = vector.load %arg4[%get3A_22, %get3A_23, %get3A_24] : memref<1x2048x64xf32, #tpu.memory_space<vmem>>, vector<1x2048x64xf32>
    %get3A_26 = vector.shape_cast %get3A_25 : vector<1x2048x64xf32> to vector<2048x64xf32>
    %convert_element_type3A_27 = arith.truncf %get3A_26 : vector<2048x64xf32> to vector<2048x64xbf16>
    %convert_element_type3A_28 = arith.truncf %exp3A : vector<512x2048xf32> to vector<512x2048xbf16>
    %dot_general3A_29 = arith.constant dense<0.000000e+00> : vector<512x64xf32>
    %dot_general3A_30 = tpu.matmul %convert_element_type3A_28, %convert_element_type3A_27, %dot_general3A_29 {dimension_numbers = #tpu.dot_dimension_numbers<[1], [0], [0], [1], [0, 0, 1, 1], [], []>, transpose_lhs_hint = false} : vector<512x2048xbf16>, vector<2048x64xbf16>, vector<512x64xf32> -> vector<512x64xf32>
    %div3A = vector.broadcast %broadcast_in_dim3A_21 : vector<512x1xf32> to vector<512x64xf32>
    %div3A_31 = arith.divf %dot_general3A_30, %div3A : vector<512x64xf32>
    %swap3A = arith.constant 0 : index
    %swap3A_32 = arith.constant 0 : index
    %swap3A_33 = arith.constant 0 : index
    %swap3A_34 = vector.load %arg5[%swap3A, %swap3A_32, %swap3A_33] : memref<1x512x64xf32, #tpu.memory_space<vmem>>, vector<1x512x64xf32>
    %swap3A_35 = vector.shape_cast %swap3A_34 : vector<1x512x64xf32> to vector<512x64xf32>
    %swap3A_36 = vector.shape_cast %div3A_31 : vector<512x64xf32> to vector<1x512x64xf32>
    tpu.vector_store %arg5[%swap3A, %swap3A_32, %swap3A_33], %swap3A_36 {strides = array<i32>} : memref<1x512x64xf32, #tpu.memory_space<vmem>>, vector<1x512x64xf32>,
    return
  }
  func.func @transform_0(%arg0: i32, %arg1: i32) -> (i32, i32, i32) {
    %c0_i32 = arith.constant 0 : i32
    %c0_i32_0 = arith.constant 0 : i32
    return %arg0, %arg1, %c0_i32 : i32, i32, i32
  }
  func.func @transform_1(%arg0: i32, %arg1: i32) -> (i32, i32, i32) {
    %jit3A = arith.constant 4 : i32
    %div3A = arith.divsi %arg0, %jit3A : i32
    %sign3A = arith.constant 0 : i32
    %sign3A_0 = arith.cmpi sgt, %arg0, %sign3A : i32
    %sign3A_1 = arith.extui %sign3A_0 : i1 to i32
    %sign3A_2 = arith.constant 0 : i32
    %sign3A_3 = arith.cmpi slt, %arg0, %sign3A_2 : i32
    %sign3A_4 = arith.extui %sign3A_3 : i1 to i32
    %sign3A_5 = arith.subi %sign3A_1, %sign3A_4 : i32
    %sign3A_6 = arith.constant 0 : i32
    %sign3A_7 = arith.cmpi sgt, %jit3A, %sign3A_6 : i32
    %sign3A_8 = arith.extui %sign3A_7 : i1 to i32
    %sign3A_9 = arith.constant 0 : i32
    %sign3A_10 = arith.cmpi slt, %jit3A, %sign3A_9 : i32
    %sign3A_11 = arith.extui %sign3A_10 : i1 to i32
    %sign3A_12 = arith.subi %sign3A_8, %sign3A_11 : i32
    %ne3A = arith.cmpi ne, %sign3A_5, %sign3A_12 : i32
    %rem3A = arith.remsi %arg0, %jit3A : i32
    %ne3A_13 = arith.constant 0 : i32
    %ne3A_14 = arith.cmpi ne, %rem3A, %ne3A_13 : i32
    %and3A = arith.andi %ne3A, %ne3A_14 : i1
    %sub3A = arith.constant 1 : i32
    %sub3A_15 = arith.subi %div3A, %sub3A : i32
    %select_n3A = arith.select %and3A, %sub3A_15, %div3A : i32
    %c0_i32 = arith.constant 0 : i32
    %c0_i32_16 = arith.constant 0 : i32
    %c0_i32_17 = arith.constant 0 : i32
    return %select_n3A, %c0_i32, %c0_i32_16 : i32, i32, i32
  }
  func.func @transform_2(%arg0: i32, %arg1: i32) -> (i32, i32, i32) {
    %jit3A = arith.constant 4 : i32
    %div3A = arith.divsi %arg0, %jit3A : i32
    %sign3A = arith.constant 0 : i32
    %sign3A_0 = arith.cmpi sgt, %arg0, %sign3A : i32
    %sign3A_1 = arith.extui %sign3A_0 : i1 to i32
    %sign3A_2 = arith.constant 0 : i32
    %sign3A_3 = arith.cmpi slt, %arg0, %sign3A_2 : i32
    %sign3A_4 = arith.extui %sign3A_3 : i1 to i32
    %sign3A_5 = arith.subi %sign3A_1, %sign3A_4 : i32
    %sign3A_6 = arith.constant 0 : i32
    %sign3A_7 = arith.cmpi sgt, %jit3A, %sign3A_6 : i32
    %sign3A_8 = arith.extui %sign3A_7 : i1 to i32
    %sign3A_9 = arith.constant 0 : i32
    %sign3A_10 = arith.cmpi slt, %jit3A, %sign3A_9 : i32
    %sign3A_11 = arith.extui %sign3A_10 : i1 to i32
    %sign3A_12 = arith.subi %sign3A_8, %sign3A_11 : i32
    %ne3A = arith.cmpi ne, %sign3A_5, %sign3A_12 : i32
    %rem3A = arith.remsi %arg0, %jit3A : i32
    %ne3A_13 = arith.constant 0 : i32
    %ne3A_14 = arith.cmpi ne, %rem3A, %ne3A_13 : i32
    %and3A = arith.andi %ne3A, %ne3A_14 : i1
    %sub3A = arith.constant 1 : i32
    %sub3A_15 = arith.subi %div3A, %sub3A : i32
    %select_n3A = arith.select %and3A, %sub3A_15, %div3A : i32
    %c0_i32 = arith.constant 0 : i32
    %c0_i32_16 = arith.constant 0 : i32
    %c0_i32_17 = arith.constant 0 : i32
    return %select_n3A, %c0_i32, %c0_i32_16 : i32, i32, i32
  }
  func.func @transform_3(%arg0: i32, %arg1: i32) -> (i32, i32, i32) {
    %c0_i32 = arith.constant 0 : i32
    %c0_i32_0 = arith.constant 0 : i32
    return %arg0, %arg1, %c0_i32 : i32, i32, i32
  }
}

module attributes {stable_mosaic.version = 14 : i64} {
  func.func @_qkv_prep_body(%arg0: i32, %arg1: memref<256x1024xf32, #tpu.memory_space<vmem>>, %arg2: memref<1x1024xf32, #tpu.memory_space<vmem>>, %arg3: memref<1536x1024xf32, #tpu.memory_space<vmem>>, %arg4: memref<1x64xf32, #tpu.memory_space<vmem>>, %arg5: memref<1x64xf32, #tpu.memory_space<vmem>>, %arg6: memref<16x256x64xf32, #tpu.memory_space<vmem>>, %arg7: memref<4x256x64xf32, #tpu.memory_space<vmem>>, %arg8: memref<4x256x64xf32, #tpu.memory_space<vmem>>) attributes {dimension_semantics = [#tpu.dimension_semantics<arbitrary>], iteration_bounds = array<i64: 8>, scalar_prefetch = 0 : i64, scratch_operands = 0 : i64, tpu.core_type = #tpu.core_type<tc>, window_params = [{transform_indices = @transform_0, window_bounds = array<i64: 256, 1024>}, {pipeline_mode = #tpu.pipeline_mode<synchronous>, transform_indices = @transform_1, window_bounds = array<i64: 1, 1024>}, {pipeline_mode = #tpu.pipeline_mode<synchronous>, transform_indices = @transform_2, window_bounds = array<i64: 1536, 1024>}, {pipeline_mode = #tpu.pipeline_mode<synchronous>, transform_indices = @transform_3, window_bounds = array<i64: 1, 64>}, {pipeline_mode = #tpu.pipeline_mode<synchronous>, transform_indices = @transform_4, window_bounds = array<i64: 1, 64>}, {transform_indices = @transform_5, window_bounds = array<i64: 16, 256, 64>}, {transform_indices = @transform_6, window_bounds = array<i64: 4, 256, 64>}, {transform_indices = @transform_7, window_bounds = array<i64: 4, 256, 64>}]} {
    %get3A = arith.constant 0 : index
    %get3A_0 = arith.constant 0 : index
    %get3A_1 = vector.load %arg1[%get3A, %get3A_0] : memref<256x1024xf32, #tpu.memory_space<vmem>>, vector<256x1024xf32>
    %mul3A = arith.mulf %get3A_1, %get3A_1 : vector<256x1024xf32>
    %reduce_sum3A = arith.constant dense<0.000000e+00> : vector<256xf32>
    %reduce_sum3A_2 = vector.multi_reduction <add>, %mul3A, %reduce_sum3A [1] : vector<256x1024xf32> to vector<256xf32>
    %broadcast_in_dim3A = vector.shape_cast %reduce_sum3A_2 : vector<256xf32> to vector<256x1xf32>
    %div3A = arith.constant 1.024000e+03 : f32
    %div3A_3 = vector.broadcast %div3A : f32 to vector<256x1xf32>
    %div3A_4 = arith.divf %broadcast_in_dim3A, %div3A_3 : vector<256x1xf32>
    %add3A = arith.constant 9.99999997E-7 : f32
    %add3A_5 = vector.broadcast %add3A : f32 to vector<256x1xf32>
    %add3A_6 = arith.addf %div3A_4, %add3A_5 : vector<256x1xf32>
    %rsqrt3A = math.rsqrt %add3A_6 : vector<256x1xf32>
    %mul3A_7 = vector.broadcast %rsqrt3A : vector<256x1xf32> to vector<256x1024xf32>
    %mul3A_8 = arith.mulf %get3A_1, %mul3A_7 : vector<256x1024xf32>
    %get3A_9 = arith.constant 0 : index
    %get3A_10 = arith.constant 0 : index
    %get3A_11 = vector.load %arg2[%get3A_9, %get3A_10] : memref<1x1024xf32, #tpu.memory_space<vmem>>, vector<1x1024xf32>
    %mul3A_12 = vector.broadcast %get3A_11 : vector<1x1024xf32> to vector<256x1024xf32>
    %mul3A_13 = arith.mulf %mul3A_8, %mul3A_12 : vector<256x1024xf32>
    %convert_element_type3A = arith.truncf %mul3A_13 : vector<256x1024xf32> to vector<256x1024xbf16>
    %get3A_14 = arith.constant 0 : index
    %get3A_15 = arith.constant 0 : index
    %get3A_16 = vector.load %arg3[%get3A_14, %get3A_15] : memref<1536x1024xf32, #tpu.memory_space<vmem>>, vector<1536x1024xf32>
    %convert_element_type3A_17 = arith.truncf %get3A_16 : vector<1536x1024xf32> to vector<1536x1024xbf16>
    %dot_general3A = arith.constant dense<0.000000e+00> : vector<256x1536xf32>
    %dot_general3A_18 = tpu.matmul %convert_element_type3A, %convert_element_type3A_17, %dot_general3A {dimension_numbers = #tpu.dot_dimension_numbers<[1], [1], [0], [0], [0, 0, 1, 0], [], []>, transpose_lhs_hint = false} : vector<256x1024xbf16>, vector<1536x1024xbf16>, vector<256x1536xf32> -> vector<256x1536xf32>
    %mul3A_19 = arith.constant 256 : i32
    %mul3A_20 = arith.muli %arg0, %mul3A_19 : i32
    %iota3A = tpu.iota {dimensions = array<i32: 0>} : vector<256x32xi32>
    %add3A_21 = vector.broadcast %mul3A_20 : i32 to vector<256x32xi32>
    %add3A_22 = arith.addi %iota3A, %add3A_21 : vector<256x32xi32>
    %convert_element_type3A_23 = arith.sitofp %add3A_22 : vector<256x32xi32> to vector<256x32xf32>
    %iota3A_24 = tpu.iota {dimensions = array<i32: 1>} : vector<256x32xi32>
    %convert_element_type3A_25 = arith.sitofp %iota3A_24 : vector<256x32xi32> to vector<256x32xf32>
    %mul3A_26 = arith.constant -0.431734711 : f32
    %mul3A_27 = vector.broadcast %mul3A_26 : f32 to vector<256x32xf32>
    %mul3A_28 = arith.mulf %convert_element_type3A_25, %mul3A_27 : vector<256x32xf32>
    %exp3A = math.exp %mul3A_28 : vector<256x32xf32>
    %mul3A_29 = arith.mulf %convert_element_type3A_23, %exp3A : vector<256x32xf32>
    %cos3A = math.cos %mul3A_29 : vector<256x32xf32>
    %sin3A = math.sin %mul3A_29 : vector<256x32xf32>
    %get3A_30 = arith.constant 0 : index
    %get3A_31 = arith.constant 0 : index
    %get3A_32 = vector.load %arg4[%get3A_30, %get3A_31] : memref<1x64xf32, #tpu.memory_space<vmem>>, vector<1x64xf32>
    %get3A_33 = arith.constant 0 : index
    %get3A_34 = arith.constant 0 : index
    %get3A_35 = vector.load %arg5[%get3A_33, %get3A_34] : memref<1x64xf32, #tpu.memory_space<vmem>>, vector<1x64xf32>
    %slice3A = vector.extract_strided_slice %dot_general3A_18 {offsets = [0, 0], sizes = [256, 64], strides = [1, 1]} : vector<256x1536xf32> to vector<256x64xf32>
    %mul3A_36 = arith.mulf %slice3A, %slice3A : vector<256x64xf32>
    %reduce_sum3A_37 = arith.constant dense<0.000000e+00> : vector<256xf32>
    %reduce_sum3A_38 = vector.multi_reduction <add>, %mul3A_36, %reduce_sum3A_37 [1] : vector<256x64xf32> to vector<256xf32>
    %broadcast_in_dim3A_39 = vector.shape_cast %reduce_sum3A_38 : vector<256xf32> to vector<256x1xf32>
    %div3A_40 = arith.constant 6.400000e+01 : f32
    %div3A_41 = vector.broadcast %div3A_40 : f32 to vector<256x1xf32>
    %div3A_42 = arith.divf %broadcast_in_dim3A_39, %div3A_41 : vector<256x1xf32>
    %add3A_43 = arith.constant 9.99999997E-7 : f32
    %add3A_44 = vector.broadcast %add3A_43 : f32 to vector<256x1xf32>
    %add3A_45 = arith.addf %div3A_42, %add3A_44 : vector<256x1xf32>
    %rsqrt3A_46 = math.rsqrt %add3A_45 : vector<256x1xf32>
    %mul3A_47 = vector.broadcast %rsqrt3A_46 : vector<256x1xf32> to vector<256x64xf32>
    %mul3A_48 = arith.mulf %slice3A, %mul3A_47 : vector<256x64xf32>
    %mul3A_49 = vector.broadcast %get3A_32 : vector<1x64xf32> to vector<256x64xf32>
    %mul3A_50 = arith.mulf %mul3A_48, %mul3A_49 : vector<256x64xf32>
    %slice3A_51 = vector.extract_strided_slice %mul3A_50 {offsets = [0, 0], sizes = [256, 32], strides = [1, 1]} : vector<256x64xf32> to vector<256x32xf32>
    %slice3A_52 = vector.extract_strided_slice %mul3A_50 {offsets = [0, 32], sizes = [256, 32], strides = [1, 1]} : vector<256x64xf32> to vector<256x32xf32>
    %mul3A_53 = arith.mulf %slice3A_51, %cos3A : vector<256x32xf32>
    %mul3A_54 = arith.mulf %slice3A_52, %sin3A : vector<256x32xf32>
    %sub3A = arith.subf %mul3A_53, %mul3A_54 : vector<256x32xf32>
    %mul3A_55 = arith.mulf %slice3A_52, %cos3A : vector<256x32xf32>
    %mul3A_56 = arith.mulf %slice3A_51, %sin3A : vector<256x32xf32>
    %add3A_57 = arith.addf %mul3A_55, %mul3A_56 : vector<256x32xf32>
    %concatenate3A = tpu.concatenate %sub3A, %add3A_57 in 1 : vector<256x32xf32>, vector<256x32xf32> -> vector<256x64xf32>
    %swap3A = arith.constant 0 : index
    %swap3A_58 = arith.constant 0 : index
    %swap3A_59 = arith.constant 0 : index
    %swap3A_60 = vector.load %arg6[%swap3A, %swap3A_58, %swap3A_59] : memref<16x256x64xf32, #tpu.memory_space<vmem>>, vector<1x256x64xf32>
    %swap3A_61 = vector.shape_cast %swap3A_60 : vector<1x256x64xf32> to vector<256x64xf32>
    %swap3A_62 = vector.shape_cast %concatenate3A : vector<256x64xf32> to vector<1x256x64xf32>
    tpu.vector_store %arg6[%swap3A, %swap3A_58, %swap3A_59], %swap3A_62 {strides = array<i32>} : memref<16x256x64xf32, #tpu.memory_space<vmem>>, vector<1x256x64xf32>,
    %slice3A_63 = vector.extract_strided_slice %dot_general3A_18 {offsets = [0, 64], sizes = [256, 64], strides = [1, 1]} : vector<256x1536xf32> to vector<256x64xf32>
    %mul3A_64 = arith.mulf %slice3A_63, %slice3A_63 : vector<256x64xf32>
    %reduce_sum3A_65 = arith.constant dense<0.000000e+00> : vector<256xf32>
    %reduce_sum3A_66 = vector.multi_reduction <add>, %mul3A_64, %reduce_sum3A_65 [1] : vector<256x64xf32> to vector<256xf32>
    %broadcast_in_dim3A_67 = vector.shape_cast %reduce_sum3A_66 : vector<256xf32> to vector<256x1xf32>
    %div3A_68 = arith.constant 6.400000e+01 : f32
    %div3A_69 = vector.broadcast %div3A_68 : f32 to vector<256x1xf32>
    %div3A_70 = arith.divf %broadcast_in_dim3A_67, %div3A_69 : vector<256x1xf32>
    %add3A_71 = arith.constant 9.99999997E-7 : f32
    %add3A_72 = vector.broadcast %add3A_71 : f32 to vector<256x1xf32>
    %add3A_73 = arith.addf %div3A_70, %add3A_72 : vector<256x1xf32>
    %rsqrt3A_74 = math.rsqrt %add3A_73 : vector<256x1xf32>
    %mul3A_75 = vector.broadcast %rsqrt3A_74 : vector<256x1xf32> to vector<256x64xf32>
    %mul3A_76 = arith.mulf %slice3A_63, %mul3A_75 : vector<256x64xf32>
    %mul3A_77 = vector.broadcast %get3A_32 : vector<1x64xf32> to vector<256x64xf32>
    %mul3A_78 = arith.mulf %mul3A_76, %mul3A_77 : vector<256x64xf32>
    %slice3A_79 = vector.extract_strided_slice %mul3A_78 {offsets = [0, 0], sizes = [256, 32], strides = [1, 1]} : vector<256x64xf32> to vector<256x32xf32>
    %slice3A_80 = vector.extract_strided_slice %mul3A_78 {offsets = [0, 32], sizes = [256, 32], strides = [1, 1]} : vector<256x64xf32> to vector<256x32xf32>
    %mul3A_81 = arith.mulf %slice3A_79, %cos3A : vector<256x32xf32>
    %mul3A_82 = arith.mulf %slice3A_80, %sin3A : vector<256x32xf32>
    %sub3A_83 = arith.subf %mul3A_81, %mul3A_82 : vector<256x32xf32>
    %mul3A_84 = arith.mulf %slice3A_80, %cos3A : vector<256x32xf32>
    %mul3A_85 = arith.mulf %slice3A_79, %sin3A : vector<256x32xf32>
    %add3A_86 = arith.addf %mul3A_84, %mul3A_85 : vector<256x32xf32>
    %concatenate3A_87 = tpu.concatenate %sub3A_83, %add3A_86 in 1 : vector<256x32xf32>, vector<256x32xf32> -> vector<256x64xf32>
    %swap3A_88 = arith.constant 1 : index
    %swap3A_89 = arith.constant 0 : index
    %swap3A_90 = arith.constant 0 : index
    %swap3A_91 = vector.load %arg6[%swap3A_88, %swap3A_89, %swap3A_90] : memref<16x256x64xf32, #tpu.memory_space<vmem>>, vector<1x256x64xf32>
    %swap3A_92 = vector.shape_cast %swap3A_91 : vector<1x256x64xf32> to vector<256x64xf32>
    %swap3A_93 = vector.shape_cast %concatenate3A_87 : vector<256x64xf32> to vector<1x256x64xf32>
    tpu.vector_store %arg6[%swap3A_88, %swap3A_89, %swap3A_90], %swap3A_93 {strides = array<i32>} : memref<16x256x64xf32, #tpu.memory_space<vmem>>, vector<1x256x64xf32>,
    %slice3A_94 = vector.extract_strided_slice %dot_general3A_18 {offsets = [0, 128], sizes = [256, 64], strides = [1, 1]} : vector<256x1536xf32> to vector<256x64xf32>
    %mul3A_95 = arith.mulf %slice3A_94, %slice3A_94 : vector<256x64xf32>
    %reduce_sum3A_96 = arith.constant dense<0.000000e+00> : vector<256xf32>
    %reduce_sum3A_97 = vector.multi_reduction <add>, %mul3A_95, %reduce_sum3A_96 [1] : vector<256x64xf32> to vector<256xf32>
    %broadcast_in_dim3A_98 = vector.shape_cast %reduce_sum3A_97 : vector<256xf32> to vector<256x1xf32>
    %div3A_99 = arith.constant 6.400000e+01 : f32
    %div3A_100 = vector.broadcast %div3A_99 : f32 to vector<256x1xf32>
    %div3A_101 = arith.divf %broadcast_in_dim3A_98, %div3A_100 : vector<256x1xf32>
    %add3A_102 = arith.constant 9.99999997E-7 : f32
    %add3A_103 = vector.broadcast %add3A_102 : f32 to vector<256x1xf32>
    %add3A_104 = arith.addf %div3A_101, %add3A_103 : vector<256x1xf32>
    %rsqrt3A_105 = math.rsqrt %add3A_104 : vector<256x1xf32>
    %mul3A_106 = vector.broadcast %rsqrt3A_105 : vector<256x1xf32> to vector<256x64xf32>
    %mul3A_107 = arith.mulf %slice3A_94, %mul3A_106 : vector<256x64xf32>
    %mul3A_108 = vector.broadcast %get3A_32 : vector<1x64xf32> to vector<256x64xf32>
    %mul3A_109 = arith.mulf %mul3A_107, %mul3A_108 : vector<256x64xf32>
    %slice3A_110 = vector.extract_strided_slice %mul3A_109 {offsets = [0, 0], sizes = [256, 32], strides = [1, 1]} : vector<256x64xf32> to vector<256x32xf32>
    %slice3A_111 = vector.extract_strided_slice %mul3A_109 {offsets = [0, 32], sizes = [256, 32], strides = [1, 1]} : vector<256x64xf32> to vector<256x32xf32>
    %mul3A_112 = arith.mulf %slice3A_110, %cos3A : vector<256x32xf32>
    %mul3A_113 = arith.mulf %slice3A_111, %sin3A : vector<256x32xf32>
    %sub3A_114 = arith.subf %mul3A_112, %mul3A_113 : vector<256x32xf32>
    %mul3A_115 = arith.mulf %slice3A_111, %cos3A : vector<256x32xf32>
    %mul3A_116 = arith.mulf %slice3A_110, %sin3A : vector<256x32xf32>
    %add3A_117 = arith.addf %mul3A_115, %mul3A_116 : vector<256x32xf32>
    %concatenate3A_118 = tpu.concatenate %sub3A_114, %add3A_117 in 1 : vector<256x32xf32>, vector<256x32xf32> -> vector<256x64xf32>
    %swap3A_119 = arith.constant 2 : index
    %swap3A_120 = arith.constant 0 : index
    %swap3A_121 = arith.constant 0 : index
    %swap3A_122 = vector.load %arg6[%swap3A_119, %swap3A_120, %swap3A_121] : memref<16x256x64xf32, #tpu.memory_space<vmem>>, vector<1x256x64xf32>
    %swap3A_123 = vector.shape_cast %swap3A_122 : vector<1x256x64xf32> to vector<256x64xf32>
    %swap3A_124 = vector.shape_cast %concatenate3A_118 : vector<256x64xf32> to vector<1x256x64xf32>
    tpu.vector_store %arg6[%swap3A_119, %swap3A_120, %swap3A_121], %swap3A_124 {strides = array<i32>} : memref<16x256x64xf32, #tpu.memory_space<vmem>>, vector<1x256x64xf32>,
    %slice3A_125 = vector.extract_strided_slice %dot_general3A_18 {offsets = [0, 192], sizes = [256, 64], strides = [1, 1]} : vector<256x1536xf32> to vector<256x64xf32>
    %mul3A_126 = arith.mulf %slice3A_125, %slice3A_125 : vector<256x64xf32>
    %reduce_sum3A_127 = arith.constant dense<0.000000e+00> : vector<256xf32>
    %reduce_sum3A_128 = vector.multi_reduction <add>, %mul3A_126, %reduce_sum3A_127 [1] : vector<256x64xf32> to vector<256xf32>
    %broadcast_in_dim3A_129 = vector.shape_cast %reduce_sum3A_128 : vector<256xf32> to vector<256x1xf32>
    %div3A_130 = arith.constant 6.400000e+01 : f32
    %div3A_131 = vector.broadcast %div3A_130 : f32 to vector<256x1xf32>
    %div3A_132 = arith.divf %broadcast_in_dim3A_129, %div3A_131 : vector<256x1xf32>
    %add3A_133 = arith.constant 9.99999997E-7 : f32
    %add3A_134 = vector.broadcast %add3A_133 : f32 to vector<256x1xf32>
    %add3A_135 = arith.addf %div3A_132, %add3A_134 : vector<256x1xf32>
    %rsqrt3A_136 = math.rsqrt %add3A_135 : vector<256x1xf32>
    %mul3A_137 = vector.broadcast %rsqrt3A_136 : vector<256x1xf32> to vector<256x64xf32>
    %mul3A_138 = arith.mulf %slice3A_125, %mul3A_137 : vector<256x64xf32>
    %mul3A_139 = vector.broadcast %get3A_32 : vector<1x64xf32> to vector<256x64xf32>
    %mul3A_140 = arith.mulf %mul3A_138, %mul3A_139 : vector<256x64xf32>
    %slice3A_141 = vector.extract_strided_slice %mul3A_140 {offsets = [0, 0], sizes = [256, 32], strides = [1, 1]} : vector<256x64xf32> to vector<256x32xf32>
    %slice3A_142 = vector.extract_strided_slice %mul3A_140 {offsets = [0, 32], sizes = [256, 32], strides = [1, 1]} : vector<256x64xf32> to vector<256x32xf32>
    %mul3A_143 = arith.mulf %slice3A_141, %cos3A : vector<256x32xf32>
    %mul3A_144 = arith.mulf %slice3A_142, %sin3A : vector<256x32xf32>
    %sub3A_145 = arith.subf %mul3A_143, %mul3A_144 : vector<256x32xf32>
    %mul3A_146 = arith.mulf %slice3A_142, %cos3A : vector<256x32xf32>
    %mul3A_147 = arith.mulf %slice3A_141, %sin3A : vector<256x32xf32>
    %add3A_148 = arith.addf %mul3A_146, %mul3A_147 : vector<256x32xf32>
    %concatenate3A_149 = tpu.concatenate %sub3A_145, %add3A_148 in 1 : vector<256x32xf32>, vector<256x32xf32> -> vector<256x64xf32>
    %swap3A_150 = arith.constant 3 : index
    %swap3A_151 = arith.constant 0 : index
    %swap3A_152 = arith.constant 0 : index
    %swap3A_153 = vector.load %arg6[%swap3A_150, %swap3A_151, %swap3A_152] : memref<16x256x64xf32, #tpu.memory_space<vmem>>, vector<1x256x64xf32>
    %swap3A_154 = vector.shape_cast %swap3A_153 : vector<1x256x64xf32> to vector<256x64xf32>
    %swap3A_155 = vector.shape_cast %concatenate3A_149 : vector<256x64xf32> to vector<1x256x64xf32>
    tpu.vector_store %arg6[%swap3A_150, %swap3A_151, %swap3A_152], %swap3A_155 {strides = array<i32>} : memref<16x256x64xf32, #tpu.memory_space<vmem>>, vector<1x256x64xf32>,
    %slice3A_156 = vector.extract_strided_slice %dot_general3A_18 {offsets = [0, 256], sizes = [256, 64], strides = [1, 1]} : vector<256x1536xf32> to vector<256x64xf32>
    %mul3A_157 = arith.mulf %slice3A_156, %slice3A_156 : vector<256x64xf32>
    %reduce_sum3A_158 = arith.constant dense<0.000000e+00> : vector<256xf32>
    %reduce_sum3A_159 = vector.multi_reduction <add>, %mul3A_157, %reduce_sum3A_158 [1] : vector<256x64xf32> to vector<256xf32>
    %broadcast_in_dim3A_160 = vector.shape_cast %reduce_sum3A_159 : vector<256xf32> to vector<256x1xf32>
    %div3A_161 = arith.constant 6.400000e+01 : f32
    %div3A_162 = vector.broadcast %div3A_161 : f32 to vector<256x1xf32>
    %div3A_163 = arith.divf %broadcast_in_dim3A_160, %div3A_162 : vector<256x1xf32>
    %add3A_164 = arith.constant 9.99999997E-7 : f32
    %add3A_165 = vector.broadcast %add3A_164 : f32 to vector<256x1xf32>
    %add3A_166 = arith.addf %div3A_163, %add3A_165 : vector<256x1xf32>
    %rsqrt3A_167 = math.rsqrt %add3A_166 : vector<256x1xf32>
    %mul3A_168 = vector.broadcast %rsqrt3A_167 : vector<256x1xf32> to vector<256x64xf32>
    %mul3A_169 = arith.mulf %slice3A_156, %mul3A_168 : vector<256x64xf32>
    %mul3A_170 = vector.broadcast %get3A_32 : vector<1x64xf32> to vector<256x64xf32>
    %mul3A_171 = arith.mulf %mul3A_169, %mul3A_170 : vector<256x64xf32>
    %slice3A_172 = vector.extract_strided_slice %mul3A_171 {offsets = [0, 0], sizes = [256, 32], strides = [1, 1]} : vector<256x64xf32> to vector<256x32xf32>
    %slice3A_173 = vector.extract_strided_slice %mul3A_171 {offsets = [0, 32], sizes = [256, 32], strides = [1, 1]} : vector<256x64xf32> to vector<256x32xf32>
    %mul3A_174 = arith.mulf %slice3A_172, %cos3A : vector<256x32xf32>
    %mul3A_175 = arith.mulf %slice3A_173, %sin3A : vector<256x32xf32>
    %sub3A_176 = arith.subf %mul3A_174, %mul3A_175 : vector<256x32xf32>
    %mul3A_177 = arith.mulf %slice3A_173, %cos3A : vector<256x32xf32>
    %mul3A_178 = arith.mulf %slice3A_172, %sin3A : vector<256x32xf32>
    %add3A_179 = arith.addf %mul3A_177, %mul3A_178 : vector<256x32xf32>
    %concatenate3A_180 = tpu.concatenate %sub3A_176, %add3A_179 in 1 : vector<256x32xf32>, vector<256x32xf32> -> vector<256x64xf32>
    %swap3A_181 = arith.constant 4 : index
    %swap3A_182 = arith.constant 0 : index
    %swap3A_183 = arith.constant 0 : index
    %swap3A_184 = vector.load %arg6[%swap3A_181, %swap3A_182, %swap3A_183] : memref<16x256x64xf32, #tpu.memory_space<vmem>>, vector<1x256x64xf32>
    %swap3A_185 = vector.shape_cast %swap3A_184 : vector<1x256x64xf32> to vector<256x64xf32>
    %swap3A_186 = vector.shape_cast %concatenate3A_180 : vector<256x64xf32> to vector<1x256x64xf32>
    tpu.vector_store %arg6[%swap3A_181, %swap3A_182, %swap3A_183], %swap3A_186 {strides = array<i32>} : memref<16x256x64xf32, #tpu.memory_space<vmem>>, vector<1x256x64xf32>,
    %slice3A_187 = vector.extract_strided_slice %dot_general3A_18 {offsets = [0, 320], sizes = [256, 64], strides = [1, 1]} : vector<256x1536xf32> to vector<256x64xf32>
    %mul3A_188 = arith.mulf %slice3A_187, %slice3A_187 : vector<256x64xf32>
    %reduce_sum3A_189 = arith.constant dense<0.000000e+00> : vector<256xf32>
    %reduce_sum3A_190 = vector.multi_reduction <add>, %mul3A_188, %reduce_sum3A_189 [1] : vector<256x64xf32> to vector<256xf32>
    %broadcast_in_dim3A_191 = vector.shape_cast %reduce_sum3A_190 : vector<256xf32> to vector<256x1xf32>
    %div3A_192 = arith.constant 6.400000e+01 : f32
    %div3A_193 = vector.broadcast %div3A_192 : f32 to vector<256x1xf32>
    %div3A_194 = arith.divf %broadcast_in_dim3A_191, %div3A_193 : vector<256x1xf32>
    %add3A_195 = arith.constant 9.99999997E-7 : f32
    %add3A_196 = vector.broadcast %add3A_195 : f32 to vector<256x1xf32>
    %add3A_197 = arith.addf %div3A_194, %add3A_196 : vector<256x1xf32>
    %rsqrt3A_198 = math.rsqrt %add3A_197 : vector<256x1xf32>
    %mul3A_199 = vector.broadcast %rsqrt3A_198 : vector<256x1xf32> to vector<256x64xf32>
    %mul3A_200 = arith.mulf %slice3A_187, %mul3A_199 : vector<256x64xf32>
    %mul3A_201 = vector.broadcast %get3A_32 : vector<1x64xf32> to vector<256x64xf32>
    %mul3A_202 = arith.mulf %mul3A_200, %mul3A_201 : vector<256x64xf32>
    %slice3A_203 = vector.extract_strided_slice %mul3A_202 {offsets = [0, 0], sizes = [256, 32], strides = [1, 1]} : vector<256x64xf32> to vector<256x32xf32>
    %slice3A_204 = vector.extract_strided_slice %mul3A_202 {offsets = [0, 32], sizes = [256, 32], strides = [1, 1]} : vector<256x64xf32> to vector<256x32xf32>
    %mul3A_205 = arith.mulf %slice3A_203, %cos3A : vector<256x32xf32>
    %mul3A_206 = arith.mulf %slice3A_204, %sin3A : vector<256x32xf32>
    %sub3A_207 = arith.subf %mul3A_205, %mul3A_206 : vector<256x32xf32>
    %mul3A_208 = arith.mulf %slice3A_204, %cos3A : vector<256x32xf32>
    %mul3A_209 = arith.mulf %slice3A_203, %sin3A : vector<256x32xf32>
    %add3A_210 = arith.addf %mul3A_208, %mul3A_209 : vector<256x32xf32>
    %concatenate3A_211 = tpu.concatenate %sub3A_207, %add3A_210 in 1 : vector<256x32xf32>, vector<256x32xf32> -> vector<256x64xf32>
    %swap3A_212 = arith.constant 5 : index
    %swap3A_213 = arith.constant 0 : index
    %swap3A_214 = arith.constant 0 : index
    %swap3A_215 = vector.load %arg6[%swap3A_212, %swap3A_213, %swap3A_214] : memref<16x256x64xf32, #tpu.memory_space<vmem>>, vector<1x256x64xf32>
    %swap3A_216 = vector.shape_cast %swap3A_215 : vector<1x256x64xf32> to vector<256x64xf32>
    %swap3A_217 = vector.shape_cast %concatenate3A_211 : vector<256x64xf32> to vector<1x256x64xf32>
    tpu.vector_store %arg6[%swap3A_212, %swap3A_213, %swap3A_214], %swap3A_217 {strides = array<i32>} : memref<16x256x64xf32, #tpu.memory_space<vmem>>, vector<1x256x64xf32>,
    %slice3A_218 = vector.extract_strided_slice %dot_general3A_18 {offsets = [0, 384], sizes = [256, 64], strides = [1, 1]} : vector<256x1536xf32> to vector<256x64xf32>
    %mul3A_219 = arith.mulf %slice3A_218, %slice3A_218 : vector<256x64xf32>
    %reduce_sum3A_220 = arith.constant dense<0.000000e+00> : vector<256xf32>
    %reduce_sum3A_221 = vector.multi_reduction <add>, %mul3A_219, %reduce_sum3A_220 [1] : vector<256x64xf32> to vector<256xf32>
    %broadcast_in_dim3A_222 = vector.shape_cast %reduce_sum3A_221 : vector<256xf32> to vector<256x1xf32>
    %div3A_223 = arith.constant 6.400000e+01 : f32
    %div3A_224 = vector.broadcast %div3A_223 : f32 to vector<256x1xf32>
    %div3A_225 = arith.divf %broadcast_in_dim3A_222, %div3A_224 : vector<256x1xf32>
    %add3A_226 = arith.constant 9.99999997E-7 : f32
    %add3A_227 = vector.broadcast %add3A_226 : f32 to vector<256x1xf32>
    %add3A_228 = arith.addf %div3A_225, %add3A_227 : vector<256x1xf32>
    %rsqrt3A_229 = math.rsqrt %add3A_228 : vector<256x1xf32>
    %mul3A_230 = vector.broadcast %rsqrt3A_229 : vector<256x1xf32> to vector<256x64xf32>
    %mul3A_231 = arith.mulf %slice3A_218, %mul3A_230 : vector<256x64xf32>
    %mul3A_232 = vector.broadcast %get3A_32 : vector<1x64xf32> to vector<256x64xf32>
    %mul3A_233 = arith.mulf %mul3A_231, %mul3A_232 : vector<256x64xf32>
    %slice3A_234 = vector.extract_strided_slice %mul3A_233 {offsets = [0, 0], sizes = [256, 32], strides = [1, 1]} : vector<256x64xf32> to vector<256x32xf32>
    %slice3A_235 = vector.extract_strided_slice %mul3A_233 {offsets = [0, 32], sizes = [256, 32], strides = [1, 1]} : vector<256x64xf32> to vector<256x32xf32>
    %mul3A_236 = arith.mulf %slice3A_234, %cos3A : vector<256x32xf32>
    %mul3A_237 = arith.mulf %slice3A_235, %sin3A : vector<256x32xf32>
    %sub3A_238 = arith.subf %mul3A_236, %mul3A_237 : vector<256x32xf32>
    %mul3A_239 = arith.mulf %slice3A_235, %cos3A : vector<256x32xf32>
    %mul3A_240 = arith.mulf %slice3A_234, %sin3A : vector<256x32xf32>
    %add3A_241 = arith.addf %mul3A_239, %mul3A_240 : vector<256x32xf32>
    %concatenate3A_242 = tpu.concatenate %sub3A_238, %add3A_241 in 1 : vector<256x32xf32>, vector<256x32xf32> -> vector<256x64xf32>
    %swap3A_243 = arith.constant 6 : index
    %swap3A_244 = arith.constant 0 : index
    %swap3A_245 = arith.constant 0 : index
    %swap3A_246 = vector.load %arg6[%swap3A_243, %swap3A_244, %swap3A_245] : memref<16x256x64xf32, #tpu.memory_space<vmem>>, vector<1x256x64xf32>
    %swap3A_247 = vector.shape_cast %swap3A_246 : vector<1x256x64xf32> to vector<256x64xf32>
    %swap3A_248 = vector.shape_cast %concatenate3A_242 : vector<256x64xf32> to vector<1x256x64xf32>
    tpu.vector_store %arg6[%swap3A_243, %swap3A_244, %swap3A_245], %swap3A_248 {strides = array<i32>} : memref<16x256x64xf32, #tpu.memory_space<vmem>>, vector<1x256x64xf32>,
    %slice3A_249 = vector.extract_strided_slice %dot_general3A_18 {offsets = [0, 448], sizes = [256, 64], strides = [1, 1]} : vector<256x1536xf32> to vector<256x64xf32>
    %mul3A_250 = arith.mulf %slice3A_249, %slice3A_249 : vector<256x64xf32>
    %reduce_sum3A_251 = arith.constant dense<0.000000e+00> : vector<256xf32>
    %reduce_sum3A_252 = vector.multi_reduction <add>, %mul3A_250, %reduce_sum3A_251 [1] : vector<256x64xf32> to vector<256xf32>
    %broadcast_in_dim3A_253 = vector.shape_cast %reduce_sum3A_252 : vector<256xf32> to vector<256x1xf32>
    %div3A_254 = arith.constant 6.400000e+01 : f32
    %div3A_255 = vector.broadcast %div3A_254 : f32 to vector<256x1xf32>
    %div3A_256 = arith.divf %broadcast_in_dim3A_253, %div3A_255 : vector<256x1xf32>
    %add3A_257 = arith.constant 9.99999997E-7 : f32
    %add3A_258 = vector.broadcast %add3A_257 : f32 to vector<256x1xf32>
    %add3A_259 = arith.addf %div3A_256, %add3A_258 : vector<256x1xf32>
    %rsqrt3A_260 = math.rsqrt %add3A_259 : vector<256x1xf32>
    %mul3A_261 = vector.broadcast %rsqrt3A_260 : vector<256x1xf32> to vector<256x64xf32>
    %mul3A_262 = arith.mulf %slice3A_249, %mul3A_261 : vector<256x64xf32>
    %mul3A_263 = vector.broadcast %get3A_32 : vector<1x64xf32> to vector<256x64xf32>
    %mul3A_264 = arith.mulf %mul3A_262, %mul3A_263 : vector<256x64xf32>
    %slice3A_265 = vector.extract_strided_slice %mul3A_264 {offsets = [0, 0], sizes = [256, 32], strides = [1, 1]} : vector<256x64xf32> to vector<256x32xf32>
    %slice3A_266 = vector.extract_strided_slice %mul3A_264 {offsets = [0, 32], sizes = [256, 32], strides = [1, 1]} : vector<256x64xf32> to vector<256x32xf32>
    %mul3A_267 = arith.mulf %slice3A_265, %cos3A : vector<256x32xf32>
    %mul3A_268 = arith.mulf %slice3A_266, %sin3A : vector<256x32xf32>
    %sub3A_269 = arith.subf %mul3A_267, %mul3A_268 : vector<256x32xf32>
    %mul3A_270 = arith.mulf %slice3A_266, %cos3A : vector<256x32xf32>
    %mul3A_271 = arith.mulf %slice3A_265, %sin3A : vector<256x32xf32>
    %add3A_272 = arith.addf %mul3A_270, %mul3A_271 : vector<256x32xf32>
    %concatenate3A_273 = tpu.concatenate %sub3A_269, %add3A_272 in 1 : vector<256x32xf32>, vector<256x32xf32> -> vector<256x64xf32>
    %swap3A_274 = arith.constant 7 : index
    %swap3A_275 = arith.constant 0 : index
    %swap3A_276 = arith.constant 0 : index
    %swap3A_277 = vector.load %arg6[%swap3A_274, %swap3A_275, %swap3A_276] : memref<16x256x64xf32, #tpu.memory_space<vmem>>, vector<1x256x64xf32>
    %swap3A_278 = vector.shape_cast %swap3A_277 : vector<1x256x64xf32> to vector<256x64xf32>
    %swap3A_279 = vector.shape_cast %concatenate3A_273 : vector<256x64xf32> to vector<1x256x64xf32>
    tpu.vector_store %arg6[%swap3A_274, %swap3A_275, %swap3A_276], %swap3A_279 {strides = array<i32>} : memref<16x256x64xf32, #tpu.memory_space<vmem>>, vector<1x256x64xf32>,
    %slice3A_280 = vector.extract_strided_slice %dot_general3A_18 {offsets = [0, 512], sizes = [256, 64], strides = [1, 1]} : vector<256x1536xf32> to vector<256x64xf32>
    %mul3A_281 = arith.mulf %slice3A_280, %slice3A_280 : vector<256x64xf32>
    %reduce_sum3A_282 = arith.constant dense<0.000000e+00> : vector<256xf32>
    %reduce_sum3A_283 = vector.multi_reduction <add>, %mul3A_281, %reduce_sum3A_282 [1] : vector<256x64xf32> to vector<256xf32>
    %broadcast_in_dim3A_284 = vector.shape_cast %reduce_sum3A_283 : vector<256xf32> to vector<256x1xf32>
    %div3A_285 = arith.constant 6.400000e+01 : f32
    %div3A_286 = vector.broadcast %div3A_285 : f32 to vector<256x1xf32>
    %div3A_287 = arith.divf %broadcast_in_dim3A_284, %div3A_286 : vector<256x1xf32>
    %add3A_288 = arith.constant 9.99999997E-7 : f32
    %add3A_289 = vector.broadcast %add3A_288 : f32 to vector<256x1xf32>
    %add3A_290 = arith.addf %div3A_287, %add3A_289 : vector<256x1xf32>
    %rsqrt3A_291 = math.rsqrt %add3A_290 : vector<256x1xf32>
    %mul3A_292 = vector.broadcast %rsqrt3A_291 : vector<256x1xf32> to vector<256x64xf32>
    %mul3A_293 = arith.mulf %slice3A_280, %mul3A_292 : vector<256x64xf32>
    %mul3A_294 = vector.broadcast %get3A_32 : vector<1x64xf32> to vector<256x64xf32>
    %mul3A_295 = arith.mulf %mul3A_293, %mul3A_294 : vector<256x64xf32>
    %slice3A_296 = vector.extract_strided_slice %mul3A_295 {offsets = [0, 0], sizes = [256, 32], strides = [1, 1]} : vector<256x64xf32> to vector<256x32xf32>
    %slice3A_297 = vector.extract_strided_slice %mul3A_295 {offsets = [0, 32], sizes = [256, 32], strides = [1, 1]} : vector<256x64xf32> to vector<256x32xf32>
    %mul3A_298 = arith.mulf %slice3A_296, %cos3A : vector<256x32xf32>
    %mul3A_299 = arith.mulf %slice3A_297, %sin3A : vector<256x32xf32>
    %sub3A_300 = arith.subf %mul3A_298, %mul3A_299 : vector<256x32xf32>
    %mul3A_301 = arith.mulf %slice3A_297, %cos3A : vector<256x32xf32>
    %mul3A_302 = arith.mulf %slice3A_296, %sin3A : vector<256x32xf32>
    %add3A_303 = arith.addf %mul3A_301, %mul3A_302 : vector<256x32xf32>
    %concatenate3A_304 = tpu.concatenate %sub3A_300, %add3A_303 in 1 : vector<256x32xf32>, vector<256x32xf32> -> vector<256x64xf32>
    %swap3A_305 = arith.constant 8 : index
    %swap3A_306 = arith.constant 0 : index
    %swap3A_307 = arith.constant 0 : index
    %swap3A_308 = vector.load %arg6[%swap3A_305, %swap3A_306, %swap3A_307] : memref<16x256x64xf32, #tpu.memory_space<vmem>>, vector<1x256x64xf32>
    %swap3A_309 = vector.shape_cast %swap3A_308 : vector<1x256x64xf32> to vector<256x64xf32>
    %swap3A_310 = vector.shape_cast %concatenate3A_304 : vector<256x64xf32> to vector<1x256x64xf32>
    tpu.vector_store %arg6[%swap3A_305, %swap3A_306, %swap3A_307], %swap3A_310 {strides = array<i32>} : memref<16x256x64xf32, #tpu.memory_space<vmem>>, vector<1x256x64xf32>,
    %slice3A_311 = vector.extract_strided_slice %dot_general3A_18 {offsets = [0, 576], sizes = [256, 64], strides = [1, 1]} : vector<256x1536xf32> to vector<256x64xf32>
    %mul3A_312 = arith.mulf %slice3A_311, %slice3A_311 : vector<256x64xf32>
    %reduce_sum3A_313 = arith.constant dense<0.000000e+00> : vector<256xf32>
    %reduce_sum3A_314 = vector.multi_reduction <add>, %mul3A_312, %reduce_sum3A_313 [1] : vector<256x64xf32> to vector<256xf32>
    %broadcast_in_dim3A_315 = vector.shape_cast %reduce_sum3A_314 : vector<256xf32> to vector<256x1xf32>
    %div3A_316 = arith.constant 6.400000e+01 : f32
    %div3A_317 = vector.broadcast %div3A_316 : f32 to vector<256x1xf32>
    %div3A_318 = arith.divf %broadcast_in_dim3A_315, %div3A_317 : vector<256x1xf32>
    %add3A_319 = arith.constant 9.99999997E-7 : f32
    %add3A_320 = vector.broadcast %add3A_319 : f32 to vector<256x1xf32>
    %add3A_321 = arith.addf %div3A_318, %add3A_320 : vector<256x1xf32>
    %rsqrt3A_322 = math.rsqrt %add3A_321 : vector<256x1xf32>
    %mul3A_323 = vector.broadcast %rsqrt3A_322 : vector<256x1xf32> to vector<256x64xf32>
    %mul3A_324 = arith.mulf %slice3A_311, %mul3A_323 : vector<256x64xf32>
    %mul3A_325 = vector.broadcast %get3A_32 : vector<1x64xf32> to vector<256x64xf32>
    %mul3A_326 = arith.mulf %mul3A_324, %mul3A_325 : vector<256x64xf32>
    %slice3A_327 = vector.extract_strided_slice %mul3A_326 {offsets = [0, 0], sizes = [256, 32], strides = [1, 1]} : vector<256x64xf32> to vector<256x32xf32>
    %slice3A_328 = vector.extract_strided_slice %mul3A_326 {offsets = [0, 32], sizes = [256, 32], strides = [1, 1]} : vector<256x64xf32> to vector<256x32xf32>
    %mul3A_329 = arith.mulf %slice3A_327, %cos3A : vector<256x32xf32>
    %mul3A_330 = arith.mulf %slice3A_328, %sin3A : vector<256x32xf32>
    %sub3A_331 = arith.subf %mul3A_329, %mul3A_330 : vector<256x32xf32>
    %mul3A_332 = arith.mulf %slice3A_328, %cos3A : vector<256x32xf32>
    %mul3A_333 = arith.mulf %slice3A_327, %sin3A : vector<256x32xf32>
    %add3A_334 = arith.addf %mul3A_332, %mul3A_333 : vector<256x32xf32>
    %concatenate3A_335 = tpu.concatenate %sub3A_331, %add3A_334 in 1 : vector<256x32xf32>, vector<256x32xf32> -> vector<256x64xf32>
    %swap3A_336 = arith.constant 9 : index
    %swap3A_337 = arith.constant 0 : index
    %swap3A_338 = arith.constant 0 : index
    %swap3A_339 = vector.load %arg6[%swap3A_336, %swap3A_337, %swap3A_338] : memref<16x256x64xf32, #tpu.memory_space<vmem>>, vector<1x256x64xf32>
    %swap3A_340 = vector.shape_cast %swap3A_339 : vector<1x256x64xf32> to vector<256x64xf32>
    %swap3A_341 = vector.shape_cast %concatenate3A_335 : vector<256x64xf32> to vector<1x256x64xf32>
    tpu.vector_store %arg6[%swap3A_336, %swap3A_337, %swap3A_338], %swap3A_341 {strides = array<i32>} : memref<16x256x64xf32, #tpu.memory_space<vmem>>, vector<1x256x64xf32>,
    %slice3A_342 = vector.extract_strided_slice %dot_general3A_18 {offsets = [0, 640], sizes = [256, 64], strides = [1, 1]} : vector<256x1536xf32> to vector<256x64xf32>
    %mul3A_343 = arith.mulf %slice3A_342, %slice3A_342 : vector<256x64xf32>
    %reduce_sum3A_344 = arith.constant dense<0.000000e+00> : vector<256xf32>
    %reduce_sum3A_345 = vector.multi_reduction <add>, %mul3A_343, %reduce_sum3A_344 [1] : vector<256x64xf32> to vector<256xf32>
    %broadcast_in_dim3A_346 = vector.shape_cast %reduce_sum3A_345 : vector<256xf32> to vector<256x1xf32>
    %div3A_347 = arith.constant 6.400000e+01 : f32
    %div3A_348 = vector.broadcast %div3A_347 : f32 to vector<256x1xf32>
    %div3A_349 = arith.divf %broadcast_in_dim3A_346, %div3A_348 : vector<256x1xf32>
    %add3A_350 = arith.constant 9.99999997E-7 : f32
    %add3A_351 = vector.broadcast %add3A_350 : f32 to vector<256x1xf32>
    %add3A_352 = arith.addf %div3A_349, %add3A_351 : vector<256x1xf32>
    %rsqrt3A_353 = math.rsqrt %add3A_352 : vector<256x1xf32>
    %mul3A_354 = vector.broadcast %rsqrt3A_353 : vector<256x1xf32> to vector<256x64xf32>
    %mul3A_355 = arith.mulf %slice3A_342, %mul3A_354 : vector<256x64xf32>
    %mul3A_356 = vector.broadcast %get3A_32 : vector<1x64xf32> to vector<256x64xf32>
    %mul3A_357 = arith.mulf %mul3A_355, %mul3A_356 : vector<256x64xf32>
    %slice3A_358 = vector.extract_strided_slice %mul3A_357 {offsets = [0, 0], sizes = [256, 32], strides = [1, 1]} : vector<256x64xf32> to vector<256x32xf32>
    %slice3A_359 = vector.extract_strided_slice %mul3A_357 {offsets = [0, 32], sizes = [256, 32], strides = [1, 1]} : vector<256x64xf32> to vector<256x32xf32>
    %mul3A_360 = arith.mulf %slice3A_358, %cos3A : vector<256x32xf32>
    %mul3A_361 = arith.mulf %slice3A_359, %sin3A : vector<256x32xf32>
    %sub3A_362 = arith.subf %mul3A_360, %mul3A_361 : vector<256x32xf32>
    %mul3A_363 = arith.mulf %slice3A_359, %cos3A : vector<256x32xf32>
    %mul3A_364 = arith.mulf %slice3A_358, %sin3A : vector<256x32xf32>
    %add3A_365 = arith.addf %mul3A_363, %mul3A_364 : vector<256x32xf32>
    %concatenate3A_366 = tpu.concatenate %sub3A_362, %add3A_365 in 1 : vector<256x32xf32>, vector<256x32xf32> -> vector<256x64xf32>
    %swap3A_367 = arith.constant 10 : index
    %swap3A_368 = arith.constant 0 : index
    %swap3A_369 = arith.constant 0 : index
    %swap3A_370 = vector.load %arg6[%swap3A_367, %swap3A_368, %swap3A_369] : memref<16x256x64xf32, #tpu.memory_space<vmem>>, vector<1x256x64xf32>
    %swap3A_371 = vector.shape_cast %swap3A_370 : vector<1x256x64xf32> to vector<256x64xf32>
    %swap3A_372 = vector.shape_cast %concatenate3A_366 : vector<256x64xf32> to vector<1x256x64xf32>
    tpu.vector_store %arg6[%swap3A_367, %swap3A_368, %swap3A_369], %swap3A_372 {strides = array<i32>} : memref<16x256x64xf32, #tpu.memory_space<vmem>>, vector<1x256x64xf32>,
    %slice3A_373 = vector.extract_strided_slice %dot_general3A_18 {offsets = [0, 704], sizes = [256, 64], strides = [1, 1]} : vector<256x1536xf32> to vector<256x64xf32>
    %mul3A_374 = arith.mulf %slice3A_373, %slice3A_373 : vector<256x64xf32>
    %reduce_sum3A_375 = arith.constant dense<0.000000e+00> : vector<256xf32>
    %reduce_sum3A_376 = vector.multi_reduction <add>, %mul3A_374, %reduce_sum3A_375 [1] : vector<256x64xf32> to vector<256xf32>
    %broadcast_in_dim3A_377 = vector.shape_cast %reduce_sum3A_376 : vector<256xf32> to vector<256x1xf32>
    %div3A_378 = arith.constant 6.400000e+01 : f32
    %div3A_379 = vector.broadcast %div3A_378 : f32 to vector<256x1xf32>
    %div3A_380 = arith.divf %broadcast_in_dim3A_377, %div3A_379 : vector<256x1xf32>
    %add3A_381 = arith.constant 9.99999997E-7 : f32
    %add3A_382 = vector.broadcast %add3A_381 : f32 to vector<256x1xf32>
    %add3A_383 = arith.addf %div3A_380, %add3A_382 : vector<256x1xf32>
    %rsqrt3A_384 = math.rsqrt %add3A_383 : vector<256x1xf32>
    %mul3A_385 = vector.broadcast %rsqrt3A_384 : vector<256x1xf32> to vector<256x64xf32>
    %mul3A_386 = arith.mulf %slice3A_373, %mul3A_385 : vector<256x64xf32>
    %mul3A_387 = vector.broadcast %get3A_32 : vector<1x64xf32> to vector<256x64xf32>
    %mul3A_388 = arith.mulf %mul3A_386, %mul3A_387 : vector<256x64xf32>
    %slice3A_389 = vector.extract_strided_slice %mul3A_388 {offsets = [0, 0], sizes = [256, 32], strides = [1, 1]} : vector<256x64xf32> to vector<256x32xf32>
    %slice3A_390 = vector.extract_strided_slice %mul3A_388 {offsets = [0, 32], sizes = [256, 32], strides = [1, 1]} : vector<256x64xf32> to vector<256x32xf32>
    %mul3A_391 = arith.mulf %slice3A_389, %cos3A : vector<256x32xf32>
    %mul3A_392 = arith.mulf %slice3A_390, %sin3A : vector<256x32xf32>
    %sub3A_393 = arith.subf %mul3A_391, %mul3A_392 : vector<256x32xf32>
    %mul3A_394 = arith.mulf %slice3A_390, %cos3A : vector<256x32xf32>
    %mul3A_395 = arith.mulf %slice3A_389, %sin3A : vector<256x32xf32>
    %add3A_396 = arith.addf %mul3A_394, %mul3A_395 : vector<256x32xf32>
    %concatenate3A_397 = tpu.concatenate %sub3A_393, %add3A_396 in 1 : vector<256x32xf32>, vector<256x32xf32> -> vector<256x64xf32>
    %swap3A_398 = arith.constant 11 : index
    %swap3A_399 = arith.constant 0 : index
    %swap3A_400 = arith.constant 0 : index
    %swap3A_401 = vector.load %arg6[%swap3A_398, %swap3A_399, %swap3A_400] : memref<16x256x64xf32, #tpu.memory_space<vmem>>, vector<1x256x64xf32>
    %swap3A_402 = vector.shape_cast %swap3A_401 : vector<1x256x64xf32> to vector<256x64xf32>
    %swap3A_403 = vector.shape_cast %concatenate3A_397 : vector<256x64xf32> to vector<1x256x64xf32>
    tpu.vector_store %arg6[%swap3A_398, %swap3A_399, %swap3A_400], %swap3A_403 {strides = array<i32>} : memref<16x256x64xf32, #tpu.memory_space<vmem>>, vector<1x256x64xf32>,
    %slice3A_404 = vector.extract_strided_slice %dot_general3A_18 {offsets = [0, 768], sizes = [256, 64], strides = [1, 1]} : vector<256x1536xf32> to vector<256x64xf32>
    %mul3A_405 = arith.mulf %slice3A_404, %slice3A_404 : vector<256x64xf32>
    %reduce_sum3A_406 = arith.constant dense<0.000000e+00> : vector<256xf32>
    %reduce_sum3A_407 = vector.multi_reduction <add>, %mul3A_405, %reduce_sum3A_406 [1] : vector<256x64xf32> to vector<256xf32>
    %broadcast_in_dim3A_408 = vector.shape_cast %reduce_sum3A_407 : vector<256xf32> to vector<256x1xf32>
    %div3A_409 = arith.constant 6.400000e+01 : f32
    %div3A_410 = vector.broadcast %div3A_409 : f32 to vector<256x1xf32>
    %div3A_411 = arith.divf %broadcast_in_dim3A_408, %div3A_410 : vector<256x1xf32>
    %add3A_412 = arith.constant 9.99999997E-7 : f32
    %add3A_413 = vector.broadcast %add3A_412 : f32 to vector<256x1xf32>
    %add3A_414 = arith.addf %div3A_411, %add3A_413 : vector<256x1xf32>
    %rsqrt3A_415 = math.rsqrt %add3A_414 : vector<256x1xf32>
    %mul3A_416 = vector.broadcast %rsqrt3A_415 : vector<256x1xf32> to vector<256x64xf32>
    %mul3A_417 = arith.mulf %slice3A_404, %mul3A_416 : vector<256x64xf32>
    %mul3A_418 = vector.broadcast %get3A_32 : vector<1x64xf32> to vector<256x64xf32>
    %mul3A_419 = arith.mulf %mul3A_417, %mul3A_418 : vector<256x64xf32>
    %slice3A_420 = vector.extract_strided_slice %mul3A_419 {offsets = [0, 0], sizes = [256, 32], strides = [1, 1]} : vector<256x64xf32> to vector<256x32xf32>
    %slice3A_421 = vector.extract_strided_slice %mul3A_419 {offsets = [0, 32], sizes = [256, 32], strides = [1, 1]} : vector<256x64xf32> to vector<256x32xf32>
    %mul3A_422 = arith.mulf %slice3A_420, %cos3A : vector<256x32xf32>
    %mul3A_423 = arith.mulf %slice3A_421, %sin3A : vector<256x32xf32>
    %sub3A_424 = arith.subf %mul3A_422, %mul3A_423 : vector<256x32xf32>
    %mul3A_425 = arith.mulf %slice3A_421, %cos3A : vector<256x32xf32>
    %mul3A_426 = arith.mulf %slice3A_420, %sin3A : vector<256x32xf32>
    %add3A_427 = arith.addf %mul3A_425, %mul3A_426 : vector<256x32xf32>
    %concatenate3A_428 = tpu.concatenate %sub3A_424, %add3A_427 in 1 : vector<256x32xf32>, vector<256x32xf32> -> vector<256x64xf32>
    %swap3A_429 = arith.constant 12 : index
    %swap3A_430 = arith.constant 0 : index
    %swap3A_431 = arith.constant 0 : index
    %swap3A_432 = vector.load %arg6[%swap3A_429, %swap3A_430, %swap3A_431] : memref<16x256x64xf32, #tpu.memory_space<vmem>>, vector<1x256x64xf32>
    %swap3A_433 = vector.shape_cast %swap3A_432 : vector<1x256x64xf32> to vector<256x64xf32>
    %swap3A_434 = vector.shape_cast %concatenate3A_428 : vector<256x64xf32> to vector<1x256x64xf32>
    tpu.vector_store %arg6[%swap3A_429, %swap3A_430, %swap3A_431], %swap3A_434 {strides = array<i32>} : memref<16x256x64xf32, #tpu.memory_space<vmem>>, vector<1x256x64xf32>,
    %slice3A_435 = vector.extract_strided_slice %dot_general3A_18 {offsets = [0, 832], sizes = [256, 64], strides = [1, 1]} : vector<256x1536xf32> to vector<256x64xf32>
    %mul3A_436 = arith.mulf %slice3A_435, %slice3A_435 : vector<256x64xf32>
    %reduce_sum3A_437 = arith.constant dense<0.000000e+00> : vector<256xf32>
    %reduce_sum3A_438 = vector.multi_reduction <add>, %mul3A_436, %reduce_sum3A_437 [1] : vector<256x64xf32> to vector<256xf32>
    %broadcast_in_dim3A_439 = vector.shape_cast %reduce_sum3A_438 : vector<256xf32> to vector<256x1xf32>
    %div3A_440 = arith.constant 6.400000e+01 : f32
    %div3A_441 = vector.broadcast %div3A_440 : f32 to vector<256x1xf32>
    %div3A_442 = arith.divf %broadcast_in_dim3A_439, %div3A_441 : vector<256x1xf32>
    %add3A_443 = arith.constant 9.99999997E-7 : f32
    %add3A_444 = vector.broadcast %add3A_443 : f32 to vector<256x1xf32>
    %add3A_445 = arith.addf %div3A_442, %add3A_444 : vector<256x1xf32>
    %rsqrt3A_446 = math.rsqrt %add3A_445 : vector<256x1xf32>
    %mul3A_447 = vector.broadcast %rsqrt3A_446 : vector<256x1xf32> to vector<256x64xf32>
    %mul3A_448 = arith.mulf %slice3A_435, %mul3A_447 : vector<256x64xf32>
    %mul3A_449 = vector.broadcast %get3A_32 : vector<1x64xf32> to vector<256x64xf32>
    %mul3A_450 = arith.mulf %mul3A_448, %mul3A_449 : vector<256x64xf32>
    %slice3A_451 = vector.extract_strided_slice %mul3A_450 {offsets = [0, 0], sizes = [256, 32], strides = [1, 1]} : vector<256x64xf32> to vector<256x32xf32>
    %slice3A_452 = vector.extract_strided_slice %mul3A_450 {offsets = [0, 32], sizes = [256, 32], strides = [1, 1]} : vector<256x64xf32> to vector<256x32xf32>
    %mul3A_453 = arith.mulf %slice3A_451, %cos3A : vector<256x32xf32>
    %mul3A_454 = arith.mulf %slice3A_452, %sin3A : vector<256x32xf32>
    %sub3A_455 = arith.subf %mul3A_453, %mul3A_454 : vector<256x32xf32>
    %mul3A_456 = arith.mulf %slice3A_452, %cos3A : vector<256x32xf32>
    %mul3A_457 = arith.mulf %slice3A_451, %sin3A : vector<256x32xf32>
    %add3A_458 = arith.addf %mul3A_456, %mul3A_457 : vector<256x32xf32>
    %concatenate3A_459 = tpu.concatenate %sub3A_455, %add3A_458 in 1 : vector<256x32xf32>, vector<256x32xf32> -> vector<256x64xf32>
    %swap3A_460 = arith.constant 13 : index
    %swap3A_461 = arith.constant 0 : index
    %swap3A_462 = arith.constant 0 : index
    %swap3A_463 = vector.load %arg6[%swap3A_460, %swap3A_461, %swap3A_462] : memref<16x256x64xf32, #tpu.memory_space<vmem>>, vector<1x256x64xf32>
    %swap3A_464 = vector.shape_cast %swap3A_463 : vector<1x256x64xf32> to vector<256x64xf32>
    %swap3A_465 = vector.shape_cast %concatenate3A_459 : vector<256x64xf32> to vector<1x256x64xf32>
    tpu.vector_store %arg6[%swap3A_460, %swap3A_461, %swap3A_462], %swap3A_465 {strides = array<i32>} : memref<16x256x64xf32, #tpu.memory_space<vmem>>, vector<1x256x64xf32>,
    %slice3A_466 = vector.extract_strided_slice %dot_general3A_18 {offsets = [0, 896], sizes = [256, 64], strides = [1, 1]} : vector<256x1536xf32> to vector<256x64xf32>
    %mul3A_467 = arith.mulf %slice3A_466, %slice3A_466 : vector<256x64xf32>
    %reduce_sum3A_468 = arith.constant dense<0.000000e+00> : vector<256xf32>
    %reduce_sum3A_469 = vector.multi_reduction <add>, %mul3A_467, %reduce_sum3A_468 [1] : vector<256x64xf32> to vector<256xf32>
    %broadcast_in_dim3A_470 = vector.shape_cast %reduce_sum3A_469 : vector<256xf32> to vector<256x1xf32>
    %div3A_471 = arith.constant 6.400000e+01 : f32
    %div3A_472 = vector.broadcast %div3A_471 : f32 to vector<256x1xf32>
    %div3A_473 = arith.divf %broadcast_in_dim3A_470, %div3A_472 : vector<256x1xf32>
    %add3A_474 = arith.constant 9.99999997E-7 : f32
    %add3A_475 = vector.broadcast %add3A_474 : f32 to vector<256x1xf32>
    %add3A_476 = arith.addf %div3A_473, %add3A_475 : vector<256x1xf32>
    %rsqrt3A_477 = math.rsqrt %add3A_476 : vector<256x1xf32>
    %mul3A_478 = vector.broadcast %rsqrt3A_477 : vector<256x1xf32> to vector<256x64xf32>
    %mul3A_479 = arith.mulf %slice3A_466, %mul3A_478 : vector<256x64xf32>
    %mul3A_480 = vector.broadcast %get3A_32 : vector<1x64xf32> to vector<256x64xf32>
    %mul3A_481 = arith.mulf %mul3A_479, %mul3A_480 : vector<256x64xf32>
    %slice3A_482 = vector.extract_strided_slice %mul3A_481 {offsets = [0, 0], sizes = [256, 32], strides = [1, 1]} : vector<256x64xf32> to vector<256x32xf32>
    %slice3A_483 = vector.extract_strided_slice %mul3A_481 {offsets = [0, 32], sizes = [256, 32], strides = [1, 1]} : vector<256x64xf32> to vector<256x32xf32>
    %mul3A_484 = arith.mulf %slice3A_482, %cos3A : vector<256x32xf32>
    %mul3A_485 = arith.mulf %slice3A_483, %sin3A : vector<256x32xf32>
    %sub3A_486 = arith.subf %mul3A_484, %mul3A_485 : vector<256x32xf32>
    %mul3A_487 = arith.mulf %slice3A_483, %cos3A : vector<256x32xf32>
    %mul3A_488 = arith.mulf %slice3A_482, %sin3A : vector<256x32xf32>
    %add3A_489 = arith.addf %mul3A_487, %mul3A_488 : vector<256x32xf32>
    %concatenate3A_490 = tpu.concatenate %sub3A_486, %add3A_489 in 1 : vector<256x32xf32>, vector<256x32xf32> -> vector<256x64xf32>
    %swap3A_491 = arith.constant 14 : index
    %swap3A_492 = arith.constant 0 : index
    %swap3A_493 = arith.constant 0 : index
    %swap3A_494 = vector.load %arg6[%swap3A_491, %swap3A_492, %swap3A_493] : memref<16x256x64xf32, #tpu.memory_space<vmem>>, vector<1x256x64xf32>
    %swap3A_495 = vector.shape_cast %swap3A_494 : vector<1x256x64xf32> to vector<256x64xf32>
    %swap3A_496 = vector.shape_cast %concatenate3A_490 : vector<256x64xf32> to vector<1x256x64xf32>
    tpu.vector_store %arg6[%swap3A_491, %swap3A_492, %swap3A_493], %swap3A_496 {strides = array<i32>} : memref<16x256x64xf32, #tpu.memory_space<vmem>>, vector<1x256x64xf32>,
    %slice3A_497 = vector.extract_strided_slice %dot_general3A_18 {offsets = [0, 960], sizes = [256, 64], strides = [1, 1]} : vector<256x1536xf32> to vector<256x64xf32>
    %mul3A_498 = arith.mulf %slice3A_497, %slice3A_497 : vector<256x64xf32>
    %reduce_sum3A_499 = arith.constant dense<0.000000e+00> : vector<256xf32>
    %reduce_sum3A_500 = vector.multi_reduction <add>, %mul3A_498, %reduce_sum3A_499 [1] : vector<256x64xf32> to vector<256xf32>
    %broadcast_in_dim3A_501 = vector.shape_cast %reduce_sum3A_500 : vector<256xf32> to vector<256x1xf32>
    %div3A_502 = arith.constant 6.400000e+01 : f32
    %div3A_503 = vector.broadcast %div3A_502 : f32 to vector<256x1xf32>
    %div3A_504 = arith.divf %broadcast_in_dim3A_501, %div3A_503 : vector<256x1xf32>
    %add3A_505 = arith.constant 9.99999997E-7 : f32
    %add3A_506 = vector.broadcast %add3A_505 : f32 to vector<256x1xf32>
    %add3A_507 = arith.addf %div3A_504, %add3A_506 : vector<256x1xf32>
    %rsqrt3A_508 = math.rsqrt %add3A_507 : vector<256x1xf32>
    %mul3A_509 = vector.broadcast %rsqrt3A_508 : vector<256x1xf32> to vector<256x64xf32>
    %mul3A_510 = arith.mulf %slice3A_497, %mul3A_509 : vector<256x64xf32>
    %mul3A_511 = vector.broadcast %get3A_32 : vector<1x64xf32> to vector<256x64xf32>
    %mul3A_512 = arith.mulf %mul3A_510, %mul3A_511 : vector<256x64xf32>
    %slice3A_513 = vector.extract_strided_slice %mul3A_512 {offsets = [0, 0], sizes = [256, 32], strides = [1, 1]} : vector<256x64xf32> to vector<256x32xf32>
    %slice3A_514 = vector.extract_strided_slice %mul3A_512 {offsets = [0, 32], sizes = [256, 32], strides = [1, 1]} : vector<256x64xf32> to vector<256x32xf32>
    %mul3A_515 = arith.mulf %slice3A_513, %cos3A : vector<256x32xf32>
    %mul3A_516 = arith.mulf %slice3A_514, %sin3A : vector<256x32xf32>
    %sub3A_517 = arith.subf %mul3A_515, %mul3A_516 : vector<256x32xf32>
    %mul3A_518 = arith.mulf %slice3A_514, %cos3A : vector<256x32xf32>
    %mul3A_519 = arith.mulf %slice3A_513, %sin3A : vector<256x32xf32>
    %add3A_520 = arith.addf %mul3A_518, %mul3A_519 : vector<256x32xf32>
    %concatenate3A_521 = tpu.concatenate %sub3A_517, %add3A_520 in 1 : vector<256x32xf32>, vector<256x32xf32> -> vector<256x64xf32>
    %swap3A_522 = arith.constant 15 : index
    %swap3A_523 = arith.constant 0 : index
    %swap3A_524 = arith.constant 0 : index
    %swap3A_525 = vector.load %arg6[%swap3A_522, %swap3A_523, %swap3A_524] : memref<16x256x64xf32, #tpu.memory_space<vmem>>, vector<1x256x64xf32>
    %swap3A_526 = vector.shape_cast %swap3A_525 : vector<1x256x64xf32> to vector<256x64xf32>
    %swap3A_527 = vector.shape_cast %concatenate3A_521 : vector<256x64xf32> to vector<1x256x64xf32>
    tpu.vector_store %arg6[%swap3A_522, %swap3A_523, %swap3A_524], %swap3A_527 {strides = array<i32>} : memref<16x256x64xf32, #tpu.memory_space<vmem>>, vector<1x256x64xf32>,
    %slice3A_528 = vector.extract_strided_slice %dot_general3A_18 {offsets = [0, 1024], sizes = [256, 64], strides = [1, 1]} : vector<256x1536xf32> to vector<256x64xf32>
    %mul3A_529 = arith.mulf %slice3A_528, %slice3A_528 : vector<256x64xf32>
    %reduce_sum3A_530 = arith.constant dense<0.000000e+00> : vector<256xf32>
    %reduce_sum3A_531 = vector.multi_reduction <add>, %mul3A_529, %reduce_sum3A_530 [1] : vector<256x64xf32> to vector<256xf32>
    %broadcast_in_dim3A_532 = vector.shape_cast %reduce_sum3A_531 : vector<256xf32> to vector<256x1xf32>
    %div3A_533 = arith.constant 6.400000e+01 : f32
    %div3A_534 = vector.broadcast %div3A_533 : f32 to vector<256x1xf32>
    %div3A_535 = arith.divf %broadcast_in_dim3A_532, %div3A_534 : vector<256x1xf32>
    %add3A_536 = arith.constant 9.99999997E-7 : f32
    %add3A_537 = vector.broadcast %add3A_536 : f32 to vector<256x1xf32>
    %add3A_538 = arith.addf %div3A_535, %add3A_537 : vector<256x1xf32>
    %rsqrt3A_539 = math.rsqrt %add3A_538 : vector<256x1xf32>
    %mul3A_540 = vector.broadcast %rsqrt3A_539 : vector<256x1xf32> to vector<256x64xf32>
    %mul3A_541 = arith.mulf %slice3A_528, %mul3A_540 : vector<256x64xf32>
    %mul3A_542 = vector.broadcast %get3A_35 : vector<1x64xf32> to vector<256x64xf32>
    %mul3A_543 = arith.mulf %mul3A_541, %mul3A_542 : vector<256x64xf32>
    %slice3A_544 = vector.extract_strided_slice %mul3A_543 {offsets = [0, 0], sizes = [256, 32], strides = [1, 1]} : vector<256x64xf32> to vector<256x32xf32>
    %slice3A_545 = vector.extract_strided_slice %mul3A_543 {offsets = [0, 32], sizes = [256, 32], strides = [1, 1]} : vector<256x64xf32> to vector<256x32xf32>
    %mul3A_546 = arith.mulf %slice3A_544, %cos3A : vector<256x32xf32>
    %mul3A_547 = arith.mulf %slice3A_545, %sin3A : vector<256x32xf32>
    %sub3A_548 = arith.subf %mul3A_546, %mul3A_547 : vector<256x32xf32>
    %mul3A_549 = arith.mulf %slice3A_545, %cos3A : vector<256x32xf32>
    %mul3A_550 = arith.mulf %slice3A_544, %sin3A : vector<256x32xf32>
    %add3A_551 = arith.addf %mul3A_549, %mul3A_550 : vector<256x32xf32>
    %concatenate3A_552 = tpu.concatenate %sub3A_548, %add3A_551 in 1 : vector<256x32xf32>, vector<256x32xf32> -> vector<256x64xf32>
    %swap3A_553 = arith.constant 0 : index
    %swap3A_554 = arith.constant 0 : index
    %swap3A_555 = arith.constant 0 : index
    %swap3A_556 = vector.load %arg7[%swap3A_553, %swap3A_554, %swap3A_555] : memref<4x256x64xf32, #tpu.memory_space<vmem>>, vector<1x256x64xf32>
    %swap3A_557 = vector.shape_cast %swap3A_556 : vector<1x256x64xf32> to vector<256x64xf32>
    %swap3A_558 = vector.shape_cast %concatenate3A_552 : vector<256x64xf32> to vector<1x256x64xf32>
    tpu.vector_store %arg7[%swap3A_553, %swap3A_554, %swap3A_555], %swap3A_558 {strides = array<i32>} : memref<4x256x64xf32, #tpu.memory_space<vmem>>, vector<1x256x64xf32>,
    %slice3A_559 = vector.extract_strided_slice %dot_general3A_18 {offsets = [0, 1088], sizes = [256, 64], strides = [1, 1]} : vector<256x1536xf32> to vector<256x64xf32>
    %mul3A_560 = arith.mulf %slice3A_559, %slice3A_559 : vector<256x64xf32>
    %reduce_sum3A_561 = arith.constant dense<0.000000e+00> : vector<256xf32>
    %reduce_sum3A_562 = vector.multi_reduction <add>, %mul3A_560, %reduce_sum3A_561 [1] : vector<256x64xf32> to vector<256xf32>
    %broadcast_in_dim3A_563 = vector.shape_cast %reduce_sum3A_562 : vector<256xf32> to vector<256x1xf32>
    %div3A_564 = arith.constant 6.400000e+01 : f32
    %div3A_565 = vector.broadcast %div3A_564 : f32 to vector<256x1xf32>
    %div3A_566 = arith.divf %broadcast_in_dim3A_563, %div3A_565 : vector<256x1xf32>
    %add3A_567 = arith.constant 9.99999997E-7 : f32
    %add3A_568 = vector.broadcast %add3A_567 : f32 to vector<256x1xf32>
    %add3A_569 = arith.addf %div3A_566, %add3A_568 : vector<256x1xf32>
    %rsqrt3A_570 = math.rsqrt %add3A_569 : vector<256x1xf32>
    %mul3A_571 = vector.broadcast %rsqrt3A_570 : vector<256x1xf32> to vector<256x64xf32>
    %mul3A_572 = arith.mulf %slice3A_559, %mul3A_571 : vector<256x64xf32>
    %mul3A_573 = vector.broadcast %get3A_35 : vector<1x64xf32> to vector<256x64xf32>
    %mul3A_574 = arith.mulf %mul3A_572, %mul3A_573 : vector<256x64xf32>
    %slice3A_575 = vector.extract_strided_slice %mul3A_574 {offsets = [0, 0], sizes = [256, 32], strides = [1, 1]} : vector<256x64xf32> to vector<256x32xf32>
    %slice3A_576 = vector.extract_strided_slice %mul3A_574 {offsets = [0, 32], sizes = [256, 32], strides = [1, 1]} : vector<256x64xf32> to vector<256x32xf32>
    %mul3A_577 = arith.mulf %slice3A_575, %cos3A : vector<256x32xf32>
    %mul3A_578 = arith.mulf %slice3A_576, %sin3A : vector<256x32xf32>
    %sub3A_579 = arith.subf %mul3A_577, %mul3A_578 : vector<256x32xf32>
    %mul3A_580 = arith.mulf %slice3A_576, %cos3A : vector<256x32xf32>
    %mul3A_581 = arith.mulf %slice3A_575, %sin3A : vector<256x32xf32>
    %add3A_582 = arith.addf %mul3A_580, %mul3A_581 : vector<256x32xf32>
    %concatenate3A_583 = tpu.concatenate %sub3A_579, %add3A_582 in 1 : vector<256x32xf32>, vector<256x32xf32> -> vector<256x64xf32>
    %swap3A_584 = arith.constant 1 : index
    %swap3A_585 = arith.constant 0 : index
    %swap3A_586 = arith.constant 0 : index
    %swap3A_587 = vector.load %arg7[%swap3A_584, %swap3A_585, %swap3A_586] : memref<4x256x64xf32, #tpu.memory_space<vmem>>, vector<1x256x64xf32>
    %swap3A_588 = vector.shape_cast %swap3A_587 : vector<1x256x64xf32> to vector<256x64xf32>
    %swap3A_589 = vector.shape_cast %concatenate3A_583 : vector<256x64xf32> to vector<1x256x64xf32>
    tpu.vector_store %arg7[%swap3A_584, %swap3A_585, %swap3A_586], %swap3A_589 {strides = array<i32>} : memref<4x256x64xf32, #tpu.memory_space<vmem>>, vector<1x256x64xf32>,
    %slice3A_590 = vector.extract_strided_slice %dot_general3A_18 {offsets = [0, 1152], sizes = [256, 64], strides = [1, 1]} : vector<256x1536xf32> to vector<256x64xf32>
    %mul3A_591 = arith.mulf %slice3A_590, %slice3A_590 : vector<256x64xf32>
    %reduce_sum3A_592 = arith.constant dense<0.000000e+00> : vector<256xf32>
    %reduce_sum3A_593 = vector.multi_reduction <add>, %mul3A_591, %reduce_sum3A_592 [1] : vector<256x64xf32> to vector<256xf32>
    %broadcast_in_dim3A_594 = vector.shape_cast %reduce_sum3A_593 : vector<256xf32> to vector<256x1xf32>
    %div3A_595 = arith.constant 6.400000e+01 : f32
    %div3A_596 = vector.broadcast %div3A_595 : f32 to vector<256x1xf32>
    %div3A_597 = arith.divf %broadcast_in_dim3A_594, %div3A_596 : vector<256x1xf32>
    %add3A_598 = arith.constant 9.99999997E-7 : f32
    %add3A_599 = vector.broadcast %add3A_598 : f32 to vector<256x1xf32>
    %add3A_600 = arith.addf %div3A_597, %add3A_599 : vector<256x1xf32>
    %rsqrt3A_601 = math.rsqrt %add3A_600 : vector<256x1xf32>
    %mul3A_602 = vector.broadcast %rsqrt3A_601 : vector<256x1xf32> to vector<256x64xf32>
    %mul3A_603 = arith.mulf %slice3A_590, %mul3A_602 : vector<256x64xf32>
    %mul3A_604 = vector.broadcast %get3A_35 : vector<1x64xf32> to vector<256x64xf32>
    %mul3A_605 = arith.mulf %mul3A_603, %mul3A_604 : vector<256x64xf32>
    %slice3A_606 = vector.extract_strided_slice %mul3A_605 {offsets = [0, 0], sizes = [256, 32], strides = [1, 1]} : vector<256x64xf32> to vector<256x32xf32>
    %slice3A_607 = vector.extract_strided_slice %mul3A_605 {offsets = [0, 32], sizes = [256, 32], strides = [1, 1]} : vector<256x64xf32> to vector<256x32xf32>
    %mul3A_608 = arith.mulf %slice3A_606, %cos3A : vector<256x32xf32>
    %mul3A_609 = arith.mulf %slice3A_607, %sin3A : vector<256x32xf32>
    %sub3A_610 = arith.subf %mul3A_608, %mul3A_609 : vector<256x32xf32>
    %mul3A_611 = arith.mulf %slice3A_607, %cos3A : vector<256x32xf32>
    %mul3A_612 = arith.mulf %slice3A_606, %sin3A : vector<256x32xf32>
    %add3A_613 = arith.addf %mul3A_611, %mul3A_612 : vector<256x32xf32>
    %concatenate3A_614 = tpu.concatenate %sub3A_610, %add3A_613 in 1 : vector<256x32xf32>, vector<256x32xf32> -> vector<256x64xf32>
    %swap3A_615 = arith.constant 2 : index
    %swap3A_616 = arith.constant 0 : index
    %swap3A_617 = arith.constant 0 : index
    %swap3A_618 = vector.load %arg7[%swap3A_615, %swap3A_616, %swap3A_617] : memref<4x256x64xf32, #tpu.memory_space<vmem>>, vector<1x256x64xf32>
    %swap3A_619 = vector.shape_cast %swap3A_618 : vector<1x256x64xf32> to vector<256x64xf32>
    %swap3A_620 = vector.shape_cast %concatenate3A_614 : vector<256x64xf32> to vector<1x256x64xf32>
    tpu.vector_store %arg7[%swap3A_615, %swap3A_616, %swap3A_617], %swap3A_620 {strides = array<i32>} : memref<4x256x64xf32, #tpu.memory_space<vmem>>, vector<1x256x64xf32>,
    %slice3A_621 = vector.extract_strided_slice %dot_general3A_18 {offsets = [0, 1216], sizes = [256, 64], strides = [1, 1]} : vector<256x1536xf32> to vector<256x64xf32>
    %mul3A_622 = arith.mulf %slice3A_621, %slice3A_621 : vector<256x64xf32>
    %reduce_sum3A_623 = arith.constant dense<0.000000e+00> : vector<256xf32>
    %reduce_sum3A_624 = vector.multi_reduction <add>, %mul3A_622, %reduce_sum3A_623 [1] : vector<256x64xf32> to vector<256xf32>
    %broadcast_in_dim3A_625 = vector.shape_cast %reduce_sum3A_624 : vector<256xf32> to vector<256x1xf32>
    %div3A_626 = arith.constant 6.400000e+01 : f32
    %div3A_627 = vector.broadcast %div3A_626 : f32 to vector<256x1xf32>
    %div3A_628 = arith.divf %broadcast_in_dim3A_625, %div3A_627 : vector<256x1xf32>
    %add3A_629 = arith.constant 9.99999997E-7 : f32
    %add3A_630 = vector.broadcast %add3A_629 : f32 to vector<256x1xf32>
    %add3A_631 = arith.addf %div3A_628, %add3A_630 : vector<256x1xf32>
    %rsqrt3A_632 = math.rsqrt %add3A_631 : vector<256x1xf32>
    %mul3A_633 = vector.broadcast %rsqrt3A_632 : vector<256x1xf32> to vector<256x64xf32>
    %mul3A_634 = arith.mulf %slice3A_621, %mul3A_633 : vector<256x64xf32>
    %mul3A_635 = vector.broadcast %get3A_35 : vector<1x64xf32> to vector<256x64xf32>
    %mul3A_636 = arith.mulf %mul3A_634, %mul3A_635 : vector<256x64xf32>
    %slice3A_637 = vector.extract_strided_slice %mul3A_636 {offsets = [0, 0], sizes = [256, 32], strides = [1, 1]} : vector<256x64xf32> to vector<256x32xf32>
    %slice3A_638 = vector.extract_strided_slice %mul3A_636 {offsets = [0, 32], sizes = [256, 32], strides = [1, 1]} : vector<256x64xf32> to vector<256x32xf32>
    %mul3A_639 = arith.mulf %slice3A_637, %cos3A : vector<256x32xf32>
    %mul3A_640 = arith.mulf %slice3A_638, %sin3A : vector<256x32xf32>
    %sub3A_641 = arith.subf %mul3A_639, %mul3A_640 : vector<256x32xf32>
    %mul3A_642 = arith.mulf %slice3A_638, %cos3A : vector<256x32xf32>
    %mul3A_643 = arith.mulf %slice3A_637, %sin3A : vector<256x32xf32>
    %add3A_644 = arith.addf %mul3A_642, %mul3A_643 : vector<256x32xf32>
    %concatenate3A_645 = tpu.concatenate %sub3A_641, %add3A_644 in 1 : vector<256x32xf32>, vector<256x32xf32> -> vector<256x64xf32>
    %swap3A_646 = arith.constant 3 : index
    %swap3A_647 = arith.constant 0 : index
    %swap3A_648 = arith.constant 0 : index
    %swap3A_649 = vector.load %arg7[%swap3A_646, %swap3A_647, %swap3A_648] : memref<4x256x64xf32, #tpu.memory_space<vmem>>, vector<1x256x64xf32>
    %swap3A_650 = vector.shape_cast %swap3A_649 : vector<1x256x64xf32> to vector<256x64xf32>
    %swap3A_651 = vector.shape_cast %concatenate3A_645 : vector<256x64xf32> to vector<1x256x64xf32>
    tpu.vector_store %arg7[%swap3A_646, %swap3A_647, %swap3A_648], %swap3A_651 {strides = array<i32>} : memref<4x256x64xf32, #tpu.memory_space<vmem>>, vector<1x256x64xf32>,
    %slice3A_652 = vector.extract_strided_slice %dot_general3A_18 {offsets = [0, 1280], sizes = [256, 64], strides = [1, 1]} : vector<256x1536xf32> to vector<256x64xf32>
    %swap3A_653 = arith.constant 0 : index
    %swap3A_654 = arith.constant 0 : index
    %swap3A_655 = arith.constant 0 : index
    %swap3A_656 = vector.load %arg8[%swap3A_653, %swap3A_654, %swap3A_655] : memref<4x256x64xf32, #tpu.memory_space<vmem>>, vector<1x256x64xf32>
    %swap3A_657 = vector.shape_cast %swap3A_656 : vector<1x256x64xf32> to vector<256x64xf32>
    %swap3A_658 = vector.shape_cast %slice3A_652 : vector<256x64xf32> to vector<1x256x64xf32>
    tpu.vector_store %arg8[%swap3A_653, %swap3A_654, %swap3A_655], %swap3A_658 {strides = array<i32>} : memref<4x256x64xf32, #tpu.memory_space<vmem>>, vector<1x256x64xf32>,
    %slice3A_659 = vector.extract_strided_slice %dot_general3A_18 {offsets = [0, 1344], sizes = [256, 64], strides = [1, 1]} : vector<256x1536xf32> to vector<256x64xf32>
    %swap3A_660 = arith.constant 1 : index
    %swap3A_661 = arith.constant 0 : index
    %swap3A_662 = arith.constant 0 : index
    %swap3A_663 = vector.load %arg8[%swap3A_660, %swap3A_661, %swap3A_662] : memref<4x256x64xf32, #tpu.memory_space<vmem>>, vector<1x256x64xf32>
    %swap3A_664 = vector.shape_cast %swap3A_663 : vector<1x256x64xf32> to vector<256x64xf32>
    %swap3A_665 = vector.shape_cast %slice3A_659 : vector<256x64xf32> to vector<1x256x64xf32>
    tpu.vector_store %arg8[%swap3A_660, %swap3A_661, %swap3A_662], %swap3A_665 {strides = array<i32>} : memref<4x256x64xf32, #tpu.memory_space<vmem>>, vector<1x256x64xf32>,
    %slice3A_666 = vector.extract_strided_slice %dot_general3A_18 {offsets = [0, 1408], sizes = [256, 64], strides = [1, 1]} : vector<256x1536xf32> to vector<256x64xf32>
    %swap3A_667 = arith.constant 2 : index
    %swap3A_668 = arith.constant 0 : index
    %swap3A_669 = arith.constant 0 : index
    %swap3A_670 = vector.load %arg8[%swap3A_667, %swap3A_668, %swap3A_669] : memref<4x256x64xf32, #tpu.memory_space<vmem>>, vector<1x256x64xf32>
    %swap3A_671 = vector.shape_cast %swap3A_670 : vector<1x256x64xf32> to vector<256x64xf32>
    %swap3A_672 = vector.shape_cast %slice3A_666 : vector<256x64xf32> to vector<1x256x64xf32>
    tpu.vector_store %arg8[%swap3A_667, %swap3A_668, %swap3A_669], %swap3A_672 {strides = array<i32>} : memref<4x256x64xf32, #tpu.memory_space<vmem>>, vector<1x256x64xf32>,
    %slice3A_673 = vector.extract_strided_slice %dot_general3A_18 {offsets = [0, 1472], sizes = [256, 64], strides = [1, 1]} : vector<256x1536xf32> to vector<256x64xf32>
    %swap3A_674 = arith.constant 3 : index
    %swap3A_675 = arith.constant 0 : index
    %swap3A_676 = arith.constant 0 : index
    %swap3A_677 = vector.load %arg8[%swap3A_674, %swap3A_675, %swap3A_676] : memref<4x256x64xf32, #tpu.memory_space<vmem>>, vector<1x256x64xf32>
    %swap3A_678 = vector.shape_cast %swap3A_677 : vector<1x256x64xf32> to vector<256x64xf32>
    %swap3A_679 = vector.shape_cast %slice3A_673 : vector<256x64xf32> to vector<1x256x64xf32>
    tpu.vector_store %arg8[%swap3A_674, %swap3A_675, %swap3A_676], %swap3A_679 {strides = array<i32>} : memref<4x256x64xf32, #tpu.memory_space<vmem>>, vector<1x256x64xf32>,
    return
  }
  func.func @transform_0(%arg0: i32) -> (i32, i32) {
    %c0_i32 = arith.constant 0 : i32
    %c0_i32_0 = arith.constant 0 : i32
    return %arg0, %c0_i32 : i32, i32
  }
  func.func @transform_1(%arg0: i32) -> (i32, i32) {
    %c0_i32 = arith.constant 0 : i32
    %c0_i32_0 = arith.constant 0 : i32
    %c0_i32_1 = arith.constant 0 : i32
    return %c0_i32, %c0_i32_0 : i32, i32
  }
  func.func @transform_2(%arg0: i32) -> (i32, i32) {
    %c0_i32 = arith.constant 0 : i32
    %c0_i32_0 = arith.constant 0 : i32
    %c0_i32_1 = arith.constant 0 : i32
    return %c0_i32, %c0_i32_0 : i32, i32
  }
  func.func @transform_3(%arg0: i32) -> (i32, i32) {
    %c0_i32 = arith.constant 0 : i32
    %c0_i32_0 = arith.constant 0 : i32
    %c0_i32_1 = arith.constant 0 : i32
    return %c0_i32, %c0_i32_0 : i32, i32
  }
  func.func @transform_4(%arg0: i32) -> (i32, i32) {
    %c0_i32 = arith.constant 0 : i32
    %c0_i32_0 = arith.constant 0 : i32
    %c0_i32_1 = arith.constant 0 : i32
    return %c0_i32, %c0_i32_0 : i32, i32
  }
  func.func @transform_5(%arg0: i32) -> (i32, i32, i32) {
    %c0_i32 = arith.constant 0 : i32
    %c0_i32_0 = arith.constant 0 : i32
    %c0_i32_1 = arith.constant 0 : i32
    return %c0_i32, %arg0, %c0_i32_0 : i32, i32, i32
  }
  func.func @transform_6(%arg0: i32) -> (i32, i32, i32) {
    %c0_i32 = arith.constant 0 : i32
    %c0_i32_0 = arith.constant 0 : i32
    %c0_i32_1 = arith.constant 0 : i32
    return %c0_i32, %arg0, %c0_i32_0 : i32, i32, i32
  }
  func.func @transform_7(%arg0: i32) -> (i32, i32, i32) {
    %c0_i32 = arith.constant 0 : i32
    %c0_i32_0 = arith.constant 0 : i32
    %c0_i32_1 = arith.constant 0 : i32
    return %c0_i32, %arg0, %c0_i32_0 : i32, i32, i32
  }
}

module attributes {stable_mosaic.version = 14 : i64} {
  func.func @_post_attn_body(%arg0: i32, %arg1: memref<256x1024xf32, #tpu.memory_space<vmem>>, %arg2: memref<256x1024xf32, #tpu.memory_space<vmem>>, %arg3: memref<1024x1024xf32, #tpu.memory_space<vmem>>, %arg4: memref<1x1024xf32, #tpu.memory_space<vmem>>, %arg5: memref<64x1024xf32, #tpu.memory_space<vmem>>, %arg6: memref<256x1024xf32, #tpu.memory_space<vmem>>, %arg7: memref<256x1024xf32, #tpu.memory_space<vmem>>, %arg8: memref<256x2xi32, #tpu.memory_space<vmem>>, %arg9: memref<256x2xf32, #tpu.memory_space<vmem>>) attributes {dimension_semantics = [#tpu.dimension_semantics<arbitrary>], iteration_bounds = array<i64: 8>, scalar_prefetch = 0 : i64, scratch_operands = 0 : i64, tpu.core_type = #tpu.core_type<tc>, window_params = [{transform_indices = @transform_0, window_bounds = array<i64: 256, 1024>}, {transform_indices = @transform_1, window_bounds = array<i64: 256, 1024>}, {pipeline_mode = #tpu.pipeline_mode<synchronous>, transform_indices = @transform_2, window_bounds = array<i64: 1024, 1024>}, {pipeline_mode = #tpu.pipeline_mode<synchronous>, transform_indices = @transform_3, window_bounds = array<i64: 1, 1024>}, {pipeline_mode = #tpu.pipeline_mode<synchronous>, transform_indices = @transform_4, window_bounds = array<i64: 64, 1024>}, {transform_indices = @transform_5, window_bounds = array<i64: 256, 1024>}, {transform_indices = @transform_6, window_bounds = array<i64: 256, 1024>}, {transform_indices = @transform_7, window_bounds = array<i64: 256, 2>}, {transform_indices = @transform_8, window_bounds = array<i64: 256, 2>}]} {
    %get3A = arith.constant 0 : index
    %get3A_0 = arith.constant 0 : index
    %get3A_1 = vector.load %arg1[%get3A, %get3A_0] : memref<256x1024xf32, #tpu.memory_space<vmem>>, vector<256x1024xf32>
    %convert_element_type3A = arith.truncf %get3A_1 : vector<256x1024xf32> to vector<256x1024xbf16>
    %get3A_2 = arith.constant 0 : index
    %get3A_3 = arith.constant 0 : index
    %get3A_4 = vector.load %arg2[%get3A_2, %get3A_3] : memref<256x1024xf32, #tpu.memory_space<vmem>>, vector<256x1024xf32>
    %get3A_5 = arith.constant 0 : index
    %get3A_6 = arith.constant 0 : index
    %get3A_7 = vector.load %arg3[%get3A_5, %get3A_6] : memref<1024x1024xf32, #tpu.memory_space<vmem>>, vector<1024x1024xf32>
    %convert_element_type3A_8 = arith.truncf %get3A_7 : vector<1024x1024xf32> to vector<1024x1024xbf16>
    %dot_general3A = arith.constant dense<0.000000e+00> : vector<256x1024xf32>
    %dot_general3A_9 = tpu.matmul %convert_element_type3A, %convert_element_type3A_8, %dot_general3A {dimension_numbers = #tpu.dot_dimension_numbers<[1], [1], [0], [0], [0, 0, 1, 0], [], []>, transpose_lhs_hint = false} : vector<256x1024xbf16>, vector<1024x1024xbf16>, vector<256x1024xf32> -> vector<256x1024xf32>
    %add3A = arith.addf %get3A_4, %dot_general3A_9 : vector<256x1024xf32>
    %swap3A = arith.constant 0 : index
    %swap3A_10 = arith.constant 0 : index
    %swap3A_11 = vector.load %arg6[%swap3A, %swap3A_10] : memref<256x1024xf32, #tpu.memory_space<vmem>>, vector<256x1024xf32>
    tpu.vector_store %arg6[%swap3A, %swap3A_10], %add3A {strides = array<i32>} : memref<256x1024xf32, #tpu.memory_space<vmem>>, vector<256x1024xf32>,
    %mul3A = arith.mulf %add3A, %add3A : vector<256x1024xf32>
    %reduce_sum3A = arith.constant dense<0.000000e+00> : vector<256xf32>
    %reduce_sum3A_12 = vector.multi_reduction <add>, %mul3A, %reduce_sum3A [1] : vector<256x1024xf32> to vector<256xf32>
    %broadcast_in_dim3A = vector.shape_cast %reduce_sum3A_12 : vector<256xf32> to vector<256x1xf32>
    %div3A = arith.constant 1.024000e+03 : f32
    %div3A_13 = vector.broadcast %div3A : f32 to vector<256x1xf32>
    %div3A_14 = arith.divf %broadcast_in_dim3A, %div3A_13 : vector<256x1xf32>
    %add3A_15 = arith.constant 9.99999997E-7 : f32
    %add3A_16 = vector.broadcast %add3A_15 : f32 to vector<256x1xf32>
    %add3A_17 = arith.addf %div3A_14, %add3A_16 : vector<256x1xf32>
    %rsqrt3A = math.rsqrt %add3A_17 : vector<256x1xf32>
    %mul3A_18 = vector.broadcast %rsqrt3A : vector<256x1xf32> to vector<256x1024xf32>
    %mul3A_19 = arith.mulf %add3A, %mul3A_18 : vector<256x1024xf32>
    %get3A_20 = arith.constant 0 : index
    %get3A_21 = arith.constant 0 : index
    %get3A_22 = vector.load %arg4[%get3A_20, %get3A_21] : memref<1x1024xf32, #tpu.memory_space<vmem>>, vector<1x1024xf32>
    %mul3A_23 = vector.broadcast %get3A_22 : vector<1x1024xf32> to vector<256x1024xf32>
    %mul3A_24 = arith.mulf %mul3A_19, %mul3A_23 : vector<256x1024xf32>
    %swap3A_25 = arith.constant 0 : index
    %swap3A_26 = arith.constant 0 : index
    %swap3A_27 = vector.load %arg7[%swap3A_25, %swap3A_26] : memref<256x1024xf32, #tpu.memory_space<vmem>>, vector<256x1024xf32>
    tpu.vector_store %arg7[%swap3A_25, %swap3A_26], %mul3A_24 {strides = array<i32>} : memref<256x1024xf32, #tpu.memory_space<vmem>>, vector<256x1024xf32>,
    %get3A_28 = arith.constant 0 : index
    %get3A_29 = arith.constant 0 : index
    %get3A_30 = vector.load %arg5[%get3A_28, %get3A_29] : memref<64x1024xf32, #tpu.memory_space<vmem>>, vector<64x1024xf32>
    %dot_general3A_31 = arith.constant dense<0.000000e+00> : vector<256x64xf32>
    %dot_general3A_32 = tpu.matmul %mul3A_24, %get3A_30, %dot_general3A_31 {dimension_numbers = #tpu.dot_dimension_numbers<[1], [1], [0], [0], [0, 0, 1, 0], [], []>, transpose_lhs_hint = false} : vector<256x1024xf32>, vector<64x1024xf32>, vector<256x64xf32> -> vector<256x64xf32>
    %iota3A = tpu.iota {dimensions = array<i32: 1>} : vector<256x64xi32>
    %reduce_max3A = arith.constant dense<0xFF800000> : vector<256xf32>
    %reduce_max3A_33 = vector.multi_reduction <maximumf>, %dot_general3A_32, %reduce_max3A [1] : vector<256x64xf32> to vector<256xf32>
    %broadcast_in_dim3A_34 = vector.shape_cast %reduce_max3A_33 : vector<256xf32> to vector<256x1xf32>
    %eq3A = vector.broadcast %broadcast_in_dim3A_34 : vector<256x1xf32> to vector<256x64xf32>
    %eq3A_35 = arith.cmpf oeq, %dot_general3A_32, %eq3A : vector<256x64xf32>
    %jit3A = arith.constant 1073741824 : i32
    %broadcast_in_dim3A_36 = vector.broadcast %jit3A : i32 to vector<256x64xi32>
    %select_n3A = arith.select %eq3A_35, %iota3A, %broadcast_in_dim3A_36 : vector<256x64xi1>, vector<256x64xi32>
    %reduce_min3A = arith.constant dense<2147483647> : vector<256xi32>
    %reduce_min3A_37 = vector.multi_reduction <minsi>, %select_n3A, %reduce_min3A [1] : vector<256x64xi32> to vector<256xi32>
    %broadcast_in_dim3A_38 = vector.shape_cast %reduce_min3A_37 : vector<256xi32> to vector<256x1xi32>
    %eq3A_39 = vector.broadcast %broadcast_in_dim3A_38 : vector<256x1xi32> to vector<256x64xi32>
    %eq3A_40 = arith.cmpi eq, %iota3A, %eq3A_39 : vector<256x64xi32>
    %jit3A_41 = arith.constant -1.000000e+30 : f32
    %broadcast_in_dim3A_42 = vector.broadcast %jit3A_41 : f32 to vector<256x64xf32>
    %select_n3A_43 = arith.select %eq3A_40, %broadcast_in_dim3A_42, %dot_general3A_32 : vector<256x64xi1>, vector<256x64xf32>
    %reduce_max3A_44 = arith.constant dense<0xFF800000> : vector<256xf32>
    %reduce_max3A_45 = vector.multi_reduction <maximumf>, %select_n3A_43, %reduce_max3A_44 [1] : vector<256x64xf32> to vector<256xf32>
    %broadcast_in_dim3A_46 = vector.shape_cast %reduce_max3A_45 : vector<256xf32> to vector<256x1xf32>
    %eq3A_47 = vector.broadcast %broadcast_in_dim3A_46 : vector<256x1xf32> to vector<256x64xf32>
    %eq3A_48 = arith.cmpf oeq, %select_n3A_43, %eq3A_47 : vector<256x64xf32>
    %jit3A_49 = arith.constant 1073741824 : i32
    %broadcast_in_dim3A_50 = vector.broadcast %jit3A_49 : i32 to vector<256x64xi32>
    %select_n3A_51 = arith.select %eq3A_48, %iota3A, %broadcast_in_dim3A_50 : vector<256x64xi1>, vector<256x64xi32>
    %reduce_min3A_52 = arith.constant dense<2147483647> : vector<256xi32>
    %reduce_min3A_53 = vector.multi_reduction <minsi>, %select_n3A_51, %reduce_min3A_52 [1] : vector<256x64xi32> to vector<256xi32>
    %broadcast_in_dim3A_54 = vector.shape_cast %reduce_min3A_53 : vector<256xi32> to vector<256x1xi32>
    %sub3A = arith.subf %broadcast_in_dim3A_46, %broadcast_in_dim3A_34 : vector<256x1xf32>
    %exp3A = math.exp %sub3A : vector<256x1xf32>
    %add3A_55 = arith.constant 1.000000e+00 : f32
    %add3A_56 = vector.broadcast %add3A_55 : f32 to vector<256x1xf32>
    %add3A_57 = arith.addf %add3A_56, %exp3A : vector<256x1xf32>
    %div3A_58 = arith.constant 1.000000e+00 : f32
    %div3A_59 = vector.broadcast %div3A_58 : f32 to vector<256x1xf32>
    %div3A_60 = arith.divf %div3A_59, %add3A_57 : vector<256x1xf32>
    %concatenate3A = tpu.concatenate %broadcast_in_dim3A_38, %broadcast_in_dim3A_54 in 1 : vector<256x1xi32>, vector<256x1xi32> -> vector<256x2xi32>
    %swap3A_61 = arith.constant 0 : index
    %swap3A_62 = arith.constant 0 : index
    %swap3A_63 = vector.load %arg8[%swap3A_61, %swap3A_62] : memref<256x2xi32, #tpu.memory_space<vmem>>, vector<256x2xi32>
    tpu.vector_store %arg8[%swap3A_61, %swap3A_62], %concatenate3A {strides = array<i32>} : memref<256x2xi32, #tpu.memory_space<vmem>>, vector<256x2xi32>,
    %sub3A_64 = arith.constant 1.000000e+00 : f32
    %sub3A_65 = vector.broadcast %sub3A_64 : f32 to vector<256x1xf32>
    %sub3A_66 = arith.subf %sub3A_65, %div3A_60 : vector<256x1xf32>
    %concatenate3A_67 = tpu.concatenate %div3A_60, %sub3A_66 in 1 : vector<256x1xf32>, vector<256x1xf32> -> vector<256x2xf32>
    %swap3A_68 = arith.constant 0 : index
    %swap3A_69 = arith.constant 0 : index
    %swap3A_70 = vector.load %arg9[%swap3A_68, %swap3A_69] : memref<256x2xf32, #tpu.memory_space<vmem>>, vector<256x2xf32>
    tpu.vector_store %arg9[%swap3A_68, %swap3A_69], %concatenate3A_67 {strides = array<i32>} : memref<256x2xf32, #tpu.memory_space<vmem>>, vector<256x2xf32>,
    return
  }
  func.func @transform_0(%arg0: i32) -> (i32, i32) {
    %c0_i32 = arith.constant 0 : i32
    %c0_i32_0 = arith.constant 0 : i32
    return %arg0, %c0_i32 : i32, i32
  }
  func.func @transform_1(%arg0: i32) -> (i32, i32) {
    %c0_i32 = arith.constant 0 : i32
    %c0_i32_0 = arith.constant 0 : i32
    return %arg0, %c0_i32 : i32, i32
  }
  func.func @transform_2(%arg0: i32) -> (i32, i32) {
    %c0_i32 = arith.constant 0 : i32
    %c0_i32_0 = arith.constant 0 : i32
    %c0_i32_1 = arith.constant 0 : i32
    return %c0_i32, %c0_i32_0 : i32, i32
  }
  func.func @transform_3(%arg0: i32) -> (i32, i32) {
    %c0_i32 = arith.constant 0 : i32
    %c0_i32_0 = arith.constant 0 : i32
    %c0_i32_1 = arith.constant 0 : i32
    return %c0_i32, %c0_i32_0 : i32, i32
  }
  func.func @transform_4(%arg0: i32) -> (i32, i32) {
    %c0_i32 = arith.constant 0 : i32
    %c0_i32_0 = arith.constant 0 : i32
    %c0_i32_1 = arith.constant 0 : i32
    return %c0_i32, %c0_i32_0 : i32, i32
  }
  func.func @transform_5(%arg0: i32) -> (i32, i32) {
    %c0_i32 = arith.constant 0 : i32
    %c0_i32_0 = arith.constant 0 : i32
    return %arg0, %c0_i32 : i32, i32
  }
  func.func @transform_6(%arg0: i32) -> (i32, i32) {
    %c0_i32 = arith.constant 0 : i32
    %c0_i32_0 = arith.constant 0 : i32
    return %arg0, %c0_i32 : i32, i32
  }
  func.func @transform_7(%arg0: i32) -> (i32, i32) {
    %c0_i32 = arith.constant 0 : i32
    %c0_i32_0 = arith.constant 0 : i32
    return %arg0, %c0_i32 : i32, i32
  }
  func.func @transform_8(%arg0: i32) -> (i32, i32) {
    %c0_i32 = arith.constant 0 : i32
    %c0_i32_0 = arith.constant 0 : i32
    return %arg0, %c0_i32 : i32, i32
  }
}

module attributes {stable_mosaic.version = 14 : i64} {
  func.func @_ffn_body(%arg0: i32, %arg1: memref<128xi32, #tpu.memory_space<smem>>, %arg2: memref<64x1024xf32, #tpu.memory_space<vmem>>, %arg3: memref<1x512x1024xf32, #tpu.memory_space<vmem>>, %arg4: memref<1x512x1024xf32, #tpu.memory_space<vmem>>, %arg5: memref<1x1024x512xf32, #tpu.memory_space<vmem>>, %arg6: memref<64x1024xf32, #tpu.memory_space<vmem>>) attributes {dimension_semantics = [#tpu.dimension_semantics<arbitrary>], iteration_bounds = array<i64: 128>, scalar_prefetch = 1 : i64, scratch_operands = 0 : i64, tpu.core_type = #tpu.core_type<tc>, window_params = [{transform_indices = @transform_0, window_bounds = array<i64: 64, 1024>}, {transform_indices = @transform_1, window_bounds = array<i64: 1, 512, 1024>}, {transform_indices = @transform_2, window_bounds = array<i64: 1, 512, 1024>}, {transform_indices = @transform_3, window_bounds = array<i64: 1, 1024, 512>}, {transform_indices = @transform_4, window_bounds = array<i64: 64, 1024>}]} {
    %get3A = arith.constant 0 : index
    %get3A_0 = arith.constant 0 : index
    %get3A_1 = vector.load %arg2[%get3A, %get3A_0] : memref<64x1024xf32, #tpu.memory_space<vmem>>, vector<64x1024xf32>
    %convert_element_type3A = arith.truncf %get3A_1 : vector<64x1024xf32> to vector<64x1024xbf16>
    %get3A_2 = arith.constant 0 : index
    %get3A_3 = arith.constant 0 : index
    %get3A_4 = arith.constant 0 : index
    %get3A_5 = vector.load %arg3[%get3A_2, %get3A_3, %get3A_4] : memref<1x512x1024xf32, #tpu.memory_space<vmem>>, vector<1x512x1024xf32>
    %get3A_6 = vector.shape_cast %get3A_5 : vector<1x512x1024xf32> to vector<512x1024xf32>
    %convert_element_type3A_7 = arith.truncf %get3A_6 : vector<512x1024xf32> to vector<512x1024xbf16>
    %get3A_8 = arith.constant 0 : index
    %get3A_9 = arith.constant 0 : index
    %get3A_10 = arith.constant 0 : index
    %get3A_11 = vector.load %arg4[%get3A_8, %get3A_9, %get3A_10] : memref<1x512x1024xf32, #tpu.memory_space<vmem>>, vector<1x512x1024xf32>
    %get3A_12 = vector.shape_cast %get3A_11 : vector<1x512x1024xf32> to vector<512x1024xf32>
    %convert_element_type3A_13 = arith.truncf %get3A_12 : vector<512x1024xf32> to vector<512x1024xbf16>
    %dot_general3A = arith.constant dense<0.000000e+00> : vector<64x512xf32>
    %dot_general3A_14 = tpu.matmul %convert_element_type3A, %convert_element_type3A_7, %dot_general3A {dimension_numbers = #tpu.dot_dimension_numbers<[1], [1], [0], [0], [0, 0, 1, 0], [], []>, transpose_lhs_hint = false} : vector<64x1024xbf16>, vector<512x1024xbf16>, vector<64x512xf32> -> vector<64x512xf32>
    %dot_general3A_15 = arith.constant dense<0.000000e+00> : vector<64x512xf32>
    %dot_general3A_16 = tpu.matmul %convert_element_type3A, %convert_element_type3A_13, %dot_general3A_15 {dimension_numbers = #tpu.dot_dimension_numbers<[1], [1], [0], [0], [0, 0, 1, 0], [], []>, transpose_lhs_hint = false} : vector<64x1024xbf16>, vector<512x1024xbf16>, vector<64x512xf32> -> vector<64x512xf32>
    %neg3A = arith.constant 0.000000e+00 : f32
    %neg3A_17 = vector.broadcast %neg3A : f32 to vector<64x512xf32>
    %neg3A_18 = arith.subf %neg3A_17, %dot_general3A_14 : vector<64x512xf32>
    %exp3A = math.exp %neg3A_18 : vector<64x512xf32>
    %add3A = arith.constant 1.000000e+00 : f32
    %add3A_19 = vector.broadcast %add3A : f32 to vector<64x512xf32>
    %add3A_20 = arith.addf %add3A_19, %exp3A : vector<64x512xf32>
    %div3A = arith.constant 1.000000e+00 : f32
    %div3A_21 = vector.broadcast %div3A : f32 to vector<64x512xf32>
    %div3A_22 = arith.divf %div3A_21, %add3A_20 : vector<64x512xf32>
    %mul3A = arith.mulf %dot_general3A_14, %div3A_22 : vector<64x512xf32>
    %mul3A_23 = arith.mulf %mul3A, %dot_general3A_16 : vector<64x512xf32>
    %convert_element_type3A_24 = arith.truncf %mul3A_23 : vector<64x512xf32> to vector<64x512xbf16>
    %get3A_25 = arith.constant 0 : index
    %get3A_26 = arith.constant 0 : index
    %get3A_27 = arith.constant 0 : index
    %get3A_28 = vector.load %arg5[%get3A_25, %get3A_26, %get3A_27] : memref<1x1024x512xf32, #tpu.memory_space<vmem>>, vector<1x1024x512xf32>
    %get3A_29 = vector.shape_cast %get3A_28 : vector<1x1024x512xf32> to vector<1024x512xf32>
    %convert_element_type3A_30 = arith.truncf %get3A_29 : vector<1024x512xf32> to vector<1024x512xbf16>
    %dot_general3A_31 = arith.constant dense<0.000000e+00> : vector<64x1024xf32>
    %dot_general3A_32 = tpu.matmul %convert_element_type3A_24, %convert_element_type3A_30, %dot_general3A_31 {dimension_numbers = #tpu.dot_dimension_numbers<[1], [1], [0], [0], [0, 0, 1, 0], [], []>, transpose_lhs_hint = false} : vector<64x512xbf16>, vector<1024x512xbf16>, vector<64x1024xf32> -> vector<64x1024xf32>
    %swap3A = arith.constant 0 : index
    %swap3A_33 = arith.constant 0 : index
    %swap3A_34 = vector.load %arg6[%swap3A, %swap3A_33] : memref<64x1024xf32, #tpu.memory_space<vmem>>, vector<64x1024xf32>
    tpu.vector_store %arg6[%swap3A, %swap3A_33], %dot_general3A_32 {strides = array<i32>} : memref<64x1024xf32, #tpu.memory_space<vmem>>, vector<64x1024xf32>,
    return
  }
  func.func @transform_0(%arg0: i32, %arg1: memref<128xi32, #tpu.memory_space<smem>>) -> (i32, i32) {
    %c0_i32 = arith.constant 0 : i32
    %c0_i32_0 = arith.constant 0 : i32
    return %arg0, %c0_i32 : i32, i32
  }
  func.func @transform_1(%arg0: i32, %arg1: memref<128xi32, #tpu.memory_space<smem>>) -> (i32, i32, i32) {
    %get3A = arith.index_cast %arg0 : i32 to index
    %get3A_0 = memref.load %arg1[%get3A] : memref<128xi32, #tpu.memory_space<smem>>
    %c0_i32 = arith.constant 0 : i32
    %c0_i32_1 = arith.constant 0 : i32
    %c0_i32_2 = arith.constant 0 : i32
    return %get3A_0, %c0_i32, %c0_i32_1 : i32, i32, i32
  }
  func.func @transform_2(%arg0: i32, %arg1: memref<128xi32, #tpu.memory_space<smem>>) -> (i32, i32, i32) {
    %get3A = arith.index_cast %arg0 : i32 to index
    %get3A_0 = memref.load %arg1[%get3A] : memref<128xi32, #tpu.memory_space<smem>>
    %c0_i32 = arith.constant 0 : i32
    %c0_i32_1 = arith.constant 0 : i32
    %c0_i32_2 = arith.constant 0 : i32
    return %get3A_0, %c0_i32, %c0_i32_1 : i32, i32, i32
  }
  func.func @transform_3(%arg0: i32, %arg1: memref<128xi32, #tpu.memory_space<smem>>) -> (i32, i32, i32) {
    %get3A = arith.index_cast %arg0 : i32 to index
    %get3A_0 = memref.load %arg1[%get3A] : memref<128xi32, #tpu.memory_space<smem>>
    %c0_i32 = arith.constant 0 : i32
    %c0_i32_1 = arith.constant 0 : i32
    %c0_i32_2 = arith.constant 0 : i32
    return %get3A_0, %c0_i32, %c0_i32_1 : i32, i32, i32
  }
  func.func @transform_4(%arg0: i32, %arg1: memref<128xi32, #tpu.memory_space<smem>>) -> (i32, i32) {
    %c0_i32 = arith.constant 0 : i32
    %c0_i32_0 = arith.constant 0 : i32
    return %arg0, %c0_i32 : i32, i32
  }
}

module attributes {stable_mosaic.version = 14 : i64} {
  func.func @_combine_body(%arg0: i32, %arg1: memref<256x1024xf32, #tpu.memory_space<vmem>>, %arg2: memref<256x1024xf32, #tpu.memory_space<vmem>>, %arg3: memref<256x1024xf32, #tpu.memory_space<vmem>>, %arg4: memref<256x2xf32, #tpu.memory_space<vmem>>, %arg5: memref<256x1024xf32, #tpu.memory_space<vmem>>) attributes {dimension_semantics = [#tpu.dimension_semantics<arbitrary>], iteration_bounds = array<i64: 8>, scalar_prefetch = 0 : i64, scratch_operands = 0 : i64, tpu.core_type = #tpu.core_type<tc>, window_params = [{transform_indices = @transform_0, window_bounds = array<i64: 256, 1024>}, {transform_indices = @transform_1, window_bounds = array<i64: 256, 1024>}, {transform_indices = @transform_2, window_bounds = array<i64: 256, 1024>}, {transform_indices = @transform_3, window_bounds = array<i64: 256, 2>}, {transform_indices = @transform_4, window_bounds = array<i64: 256, 1024>}]} {
    %get3A = arith.constant 0 : index
    %get3A_0 = arith.constant 0 : index
    %get3A_1 = vector.load %arg4[%get3A, %get3A_0] : memref<256x2xf32, #tpu.memory_space<vmem>>, vector<256x2xf32>
    %get3A_2 = arith.constant 0 : index
    %get3A_3 = arith.constant 0 : index
    %get3A_4 = vector.load %arg1[%get3A_2, %get3A_3] : memref<256x1024xf32, #tpu.memory_space<vmem>>, vector<256x1024xf32>
    %slice3A = vector.extract_strided_slice %get3A_1 {offsets = [0, 0], sizes = [256, 1], strides = [1, 1]} : vector<256x2xf32> to vector<256x1xf32>
    %get3A_5 = arith.constant 0 : index
    %get3A_6 = arith.constant 0 : index
    %get3A_7 = vector.load %arg2[%get3A_5, %get3A_6] : memref<256x1024xf32, #tpu.memory_space<vmem>>, vector<256x1024xf32>
    %mul3A = vector.broadcast %slice3A : vector<256x1xf32> to vector<256x1024xf32>
    %mul3A_8 = arith.mulf %mul3A, %get3A_7 : vector<256x1024xf32>
    %add3A = arith.addf %get3A_4, %mul3A_8 : vector<256x1024xf32>
    %slice3A_9 = vector.extract_strided_slice %get3A_1 {offsets = [0, 1], sizes = [256, 1], strides = [1, 1]} : vector<256x2xf32> to vector<256x1xf32>
    %get3A_10 = arith.constant 0 : index
    %get3A_11 = arith.constant 0 : index
    %get3A_12 = vector.load %arg3[%get3A_10, %get3A_11] : memref<256x1024xf32, #tpu.memory_space<vmem>>, vector<256x1024xf32>
    %mul3A_13 = vector.broadcast %slice3A_9 : vector<256x1xf32> to vector<256x1024xf32>
    %mul3A_14 = arith.mulf %mul3A_13, %get3A_12 : vector<256x1024xf32>
    %add3A_15 = arith.addf %add3A, %mul3A_14 : vector<256x1024xf32>
    %swap3A = arith.constant 0 : index
    %swap3A_16 = arith.constant 0 : index
    %swap3A_17 = vector.load %arg5[%swap3A, %swap3A_16] : memref<256x1024xf32, #tpu.memory_space<vmem>>, vector<256x1024xf32>
    tpu.vector_store %arg5[%swap3A, %swap3A_16], %add3A_15 {strides = array<i32>} : memref<256x1024xf32, #tpu.memory_space<vmem>>, vector<256x1024xf32>,
    return
  }
  func.func @transform_0(%arg0: i32) -> (i32, i32) {
    %c0_i32 = arith.constant 0 : i32
    %c0_i32_0 = arith.constant 0 : i32
    return %arg0, %c0_i32 : i32, i32
  }
  func.func @transform_1(%arg0: i32) -> (i32, i32) {
    %c0_i32 = arith.constant 0 : i32
    %c0_i32_0 = arith.constant 0 : i32
    return %arg0, %c0_i32 : i32, i32
  }
  func.func @transform_2(%arg0: i32) -> (i32, i32) {
    %c0_i32 = arith.constant 0 : i32
    %c0_i32_0 = arith.constant 0 : i32
    return %arg0, %c0_i32 : i32, i32
  }
  func.func @transform_3(%arg0: i32) -> (i32, i32) {
    %c0_i32 = arith.constant 0 : i32
    %c0_i32_0 = arith.constant 0 : i32
    return %arg0, %c0_i32 : i32, i32
  }
  func.func @transform_4(%arg0: i32) -> (i32, i32) {
    %c0_i32 = arith.constant 0 : i32
    %c0_i32_0 = arith.constant 0 : i32
    return %arg0, %c0_i32 : i32, i32
  }
}

</mosaic_0001>

<sc_bundles>
// kernel: kernel.12.cloned.1.call-start
scs
__scs_entry_jumppad:
0x0: {  	(pc) =	sbr.rel $0x88, $3  }
0x1: {  	(tag) =	ssettag $0x0;
	lr =	simm.s32 $0x1  }
0x2: {  	[smem:$0x3F96] =	sst lr;
	_ =	strace $0xD0000000  }
0x3: {  	_ = 	snop  }
0x4: {  	_ = 	snop  }
0x5: {  	_ = 	snop  }
0x6: {  	_ = 	snop  }
0x7: {  	_ = 	snop  }
__scs_overlays_trampoline_lowered:
0x8: {  	[smem:$0x3FA5] =	sst s0  }
0x9: {  	[smem:$0x3FA6] =	sst s1  }
0xa: {  	[smem:$0x3FA7] =	sst s2  }
0xb: {  	[smem:$0x3FA8] =	sst s3  }
0xc: {  	[smem:$0x3FA9] =	sst s4  }
0xd: {  	[smem:$0x3FAA] =	sst s5  }
0xe: {  	[smem:$0x3FAB] =	sst s6  }
0xf: {  	[smem:$0x3FAC] =	sst s7  }
0x10: {  	[smem:$0x3FAD] =	sst s8  }
0x11: {  	[smem:$0x3FAE] =	sst s9;
	s0 =	simm.s32 @!p0 $0x0  }
0x12: {  	s1 =	sld [smem:$0x3F94];
	s0 =	simm.s32 @p0 $0x1  }
0x13: {  	[smem:$0x3FAF] =	sst s0;
	s0 =	simm.s32 @!p1 $0x0  }
0x14: {  	s2 =	sld [smem:$0x3F93];
	s0 =	simm.s32 @p1 $0x1  }
0x15: {  	[smem:$0x3FB0] =	sst s0;
	s0 =	simm.s32 @!p2 $0x0  }
0x16: {  	s3 =	sld [smem:$0x3FDB];
	s0 =	simm.s32 @p2 $0x1  }
0x17: {  	s4 =	simm.s32 $0x1BF5;
	[smem:$0x3FB2] =	sst s0  }
0x18: {  	s0 =	sld [smem:$0x3F95];
	_ =	swait.ge [sflag:s4], $0x0  }
0x19: {  	s7 =	sld [smem:$0x3F96]  }
0x1a: {  	s8 =	sadd.s32 $0xFFFFE003, lr  }
0x1b: {  	s9 =	sadd.s32 $0xFFFFFEF7, lr;
	s5 =	simm.s32 $0xFFFFFFFF;
	p2 =	slt.u32 s8, $0xFFFFF086  }
0x1c: {  	p1 =	slt.u32 s9, $0xF7A;
	s5 =	simm.s32 @!p2 $0x0  }
0x1d: {  	s5 =	simm.s32 @p1 $0x1;
	p0 =	seq.s32 s7, s2  }
0x1e: {  	s7 =	smul.u32 @!p0 $0xF7A, s2;
	p2 =	seq.s32 @!p0 s5, $0x0  }
0x1f: {  	s9 =	smul.u32 $0xF7A, s1;
	s8 =	simm.s32 @!p0 $0x1BF5;
	p2 =	por !p2, p0  }
0x20: {  	[sflag:s8] =	ssyncset.s32 @!p0 $0xFFFFF086;
	s6 =	sadd.s32 @!p0 s3, s7;
	s7 =	simm.s32 @!p0 $0x108  }
0x21: {  	s3 =	sadd.s32 s3, s9;
	s6 =	sadd.s32 @!p0 $0x88, s6;
	s7 =	simm.s32 @p2 $0x1082  }
0x22: {  	[simem:s7], [sflag:s8] =	dma.local @!p0 [hbm:s6], $0xF7A  }
0x23: {  	s9 =	sor.u32 $0xD0000000, s2;
	s6 =	simm.s32 $0x108;
	_ =	swait.ge @!p0 [sflag:s8], $0x0  }
0x24: {  	s3 =	sadd.s32 $0x88, s3;
	s6 =	simm.s32 @!p1 $0x1082;
	[sflag:s4] =	ssyncset.s32 $0xFFFFF086  }
0x25: {  	[simem:s6], [sflag:s4] =	dma.local [hbm:s3], $0xF7A  }
0x26: {  	[smem:$0x3F96] =	sst s1;
	(tag) =	ssettag s2;
	_ =	strace s9  }
0x27: {  	s1 =	sld [smem:$0x3FA6]  }
0x28: {  	s2 =	sld [smem:$0x3FA7]  }
0x29: {  	s4 =	sld [smem:$0x3FA9]  }
0x2a: {  	p0 =	seq.s32 s5, $0x0;
	s5 =	sld [smem:$0x3FAA]  }
0x2b: {  	s6 =	sld [smem:$0x3FAB]  }
0x2c: {  	s7 =	sld [smem:$0x3FAC]  }
0x2d: {  	s3 =	simm.s32 $0x108;
	s8 =	sld [smem:$0x3FAD]  }
0x2e: {  	s3 =	simm.s32 @!p0 $0x1082;
	s9 =	sld [smem:$0x3FAE]  }
0x2f: {  	lr =	sadd.s32 s0, s3;
	s0 =	sld [smem:$0x3FA5]  }
0x30: {  	s3 =	sld [smem:$0x3FA8]  }
0x31: {  	[smem:$0x3FB1] =	sst s10  }
0x32: {  	s10 =	sld [smem:$0x3FAF];
	_ =	sdelay $0x3  }
0x33: {  	p0 =	seq.s32 s10, $0x1;
	s10 =	sld [smem:$0x3FB1];
	_ =	sdelay $0x3  }
0x34: {  	[smem:$0x3FB1] =	sst s10  }
0x35: {  	s10 =	sld [smem:$0x3FB0];
	_ =	sdelay $0x3  }
0x36: {  	p1 =	seq.s32 s10, $0x1;
	s10 =	sld [smem:$0x3FB1];
	_ =	sdelay $0x3  }
0x37: {  	[smem:$0x3FB1] =	sst s10  }
0x38: {  	s10 =	sld [smem:$0x3FB2]  }
0x39: {  	_ = 	snop;
	(pc) =	sbr.ind lr, $3  }
0x3a: {  	_ = 	snop  }
0x3b: {  	_ = 	snop  }
0x3c: {  	p2 =	seq.s32 s10, $0x1;
	s10 =	sld [smem:$0x3FB1]  }
0x3d: {  	_ =	shalt  }
0x3e: {  	_ =	shalt  }
0x3f: {  	_ =	shalt  }
0x40: {  	_ =	shalt  }
0x41: {  	_ =	shalt  }
0x42: {  	_ =	shalt  }
0x43: {  	_ =	shalt  }
0x44: {  	_ =	shalt  }
0x45: {  	_ =	shalt  }
0x46: {  	_ =	shalt  }
0x47: {  	_ =	shalt  }
0x48: {  	_ =	shalt  }
0x49: {  	_ =	shalt  }
0x4a: {  	_ =	shalt  }
0x4b: {  	_ =	shalt  }
0x4c: {  	_ =	shalt  }
0x4d: {  	_ =	shalt  }
0x4e: {  	_ =	shalt  }
0x4f: {  	_ =	shalt  }
0x50: {  	_ =	shalt  }
0x51: {  	_ =	shalt  }
0x52: {  	_ =	shalt  }
0x53: {  	_ =	shalt  }
0x54: {  	_ =	shalt  }
0x55: {  	_ =	shalt  }
0x56: {  	_ =	shalt  }
0x57: {  	_ =	shalt  }
0x58: {  	_ =	shalt  }
0x59: {  	_ =	shalt  }
0x5a: {  	_ =	shalt  }
0x5b: {  	_ =	shalt  }
0x5c: {  	_ =	shalt  }
0x5d: {  	_ =	shalt  }
0x5e: {  	_ =	shalt  }
0x5f: {  	_ =	shalt  }
0x60: {  	_ =	shalt  }
0x61: {  	_ =	shalt  }
0x62: {  	_ =	shalt  }
0x63: {  	_ =	shalt  }
0x64: {  	_ =	shalt  }
0x65: {  	_ =	shalt  }
0x66: {  	_ =	shalt  }
0x67: {  	_ =	shalt  }
0x68: {  	_ =	shalt  }
0x69: {  	_ =	shalt  }
0x6a: {  	_ =	shalt  }
0x6b: {  	_ =	shalt  }
0x6c: {  	_ =	shalt  }
0x6d: {  	_ =	shalt  }
0x6e: {  	_ =	shalt  }
0x6f: {  	_ =	shalt  }
0x70: {  	_ =	shalt  }
0x71: {  	_ =	shalt  }
0x72: {  	_ =	shalt  }
0x73: {  	_ =	shalt  }
0x74: {  	_ =	shalt  }
0x75: {  	_ =	shalt  }
0x76: {  	_ =	shalt  }
0x77: {  	_ =	shalt  }
0x78: {  	_ =	shalt  }
0x79: {  	_ =	shalt  }
0x7a: {  	_ =	shalt  }
0x7b: {  	_ =	shalt  }
0x7c: {  	_ =	shalt  }
0x7d: {  	_ =	shalt  }
0x7e: {  	_ =	shalt  }
0x7f: {  	_ =	shalt  }
0x80: {  	_ =	shalt  }
0x81: {  	_ =	shalt  }
0x82: {  	_ =	shalt  }
0x83: {  	_ =	shalt  }
0x84: {  	_ =	shalt  }
0x85: {  	_ =	shalt  }
0x86: {  	_ =	shalt  }
0x87: {  	_ =	shalt  }
.Lfunc_end0:
.L_simem_size_0:
called_computation.1_lowered:
.L_overlay_start_0:
0x88: {  	s2 =	sld [smem:$0x3FD9]  }
0x89: {  	s3 =	sld [smem:$0x3FFE];
	_ =	sdelay $0x1  }
0x8a: {  	s1 =	srdreg.scid  }
0x8b: {  	s0 =	sand.u32 $0x1, s1  }
0x8c: {  	s16 =	sshll.u32 s0, $0xA;
	s2 =	sadd.s32 s3, s2  }
0x8d: {  	s2 =	sadd.s32 s2, s16  }
0x8e: {  	[smem:$0x3FBD] =	sst s2  }
0x8f: {  	_ = 	snop  }
0x90: {  	(tm) =	ssettm $0x1  }
0x91: {  	s17 =	sld [smem:$0x3FFB];
	_ =	sdelay $0x3  }
0x92: {  	_ =	strace s17  }
0x93: {  	s2 =	sld [smem:$0x3FFC];
	_ =	sdelay $0x3  }
0x94: {  	_ =	strace s2  }
0x95: {  	s2 =	sld [smem:$0x3FFD];
	_ =	sdelay $0x3  }
0x96: {  	_ =	strace s2  }
0x97: {  	_ =	strace $0x8FFFFFFF  }
0x98: {  	s18 =	sld [smem:$0x3FDB];
	_ =	sdelay $0x1  }
0x99: {  	s19 =	simm.s32 $_scs_section_size  }
0x9a: {  	s4 =	simm.s32 $_size__tile_overlayer_lowered;
	s5 =	simm.s32 $_tile_overlayer_lowered  }
0x9b: {  	s22 =	simm.s32 $0x1BFF;
	s21 =	sshll.u32 s5, $0x1;
	s2 =	sadd.s32 s19, s18  }
0x9c: {  	s6 =	simm.s32 $0x0;
	s20 =	sshll.u32 s4, $0x1;
	s4 =	sadd.s32 s21, s2  }
0x9d: {  	[timem:s6], [sflag:s22] =	dma.local [hbm:s4], s20  }
0x9e: {  	_ =	swait.ge [sflag:s22], s20  }
0x9f: {  	s3 =	ssub.s32 $0x0, s20;
	[sflag:s22] =	ssyncset.done $0x0  }
0xa0: {  	[sflag:s22] =	ssyncadd.s32 s3;
	_ =	sdelay $0x1  }
0xa1: {  	s23 =	simm.s32 $0x1B8B  }
0xa2: {  	_ =	swait.ge [sflag:s23], $0x1  }
0xa3: {  	[sflag:s23] =	ssyncset.done $0x0  }
0xa4: {  	s25 =	simm.s32 $0x1B8E;
	s24 =	sld [smem:$0x3FFE];
	[sflag:s23] =	ssyncadd.s32 $0xFFFFFFFF  }
0xa5: {  	s26 =	simm.s32 $execute0_lowered;
	[smem:$0x3FD2] =	sst s25  }
0xa6: {  	s4 =	sshll.u32 s26, $0x1;
	_ =	strace $0x80000049;
	[dreg:$0x1] =	wrdreg $0xFFFFFFFF  }
0xa7: {  	s28 =	simm.s32 $_size_execute0_lowered;
	s2 =	sadd.s32 s2, s4;
	[dreg:$0x0] =	wrdreg $0x0  }
0xa8: {  	s4 =	sshll.u32 s28, $0x1;
	[dreg:$0x2] =	wrdreg s2  }
0xa9: {  	[dreg:$0x3] =	wrdreg s4  }
0xaa: {  	[dreg:$0x4] =	wrdreg $0xC0  }
0xab: {  	_ =	task [dreg:s6], $0x5FFFF  }
0xac: {  	[dreg:$0x1] =	wrdreg $0xFFFFFFFF  }
0xad: {  	[dreg:$0x0] =	wrdreg $0x60  }
0xae: {  	[dreg:$0x2] =	wrdreg s24  }
0xaf: {  	[dreg:$0x3] =	wrdreg $0x9  }
0xb0: {  	_ =	task.clear_ibuf [dreg:s6], $0x4FFFF;
	_ =	strace $0x90000049  }
0xb1: {  	s29 =	simm.s32 $0x9;
	_ =	strace $0x8000004B  }
0xb2: {  	_ =	swait.ge [sflag:s29], $0x1  }
0xb3: {  	[sflag:s29] =	ssyncadd.s32 $0xFFFFFFFF  }
0xb4: {  	_ =	strace $0x9000004B  }
0xb5: {  	_ =	sfence  }
0xb6: {  	s30 =	sld [smem:$0x0];
	_ =	sdelay $0x2  }
0xb7: {  	s31 =	sshll.u32 s1, $0xD;
	s1 =	sshrl.u32 s1, $0x2  }
0xb8: {  	s3 =	sand.u32 $0x4000, s31;
	s1 =	sadd.s32 s1, s30  }
0xb9: {  	s0 =	sor.u32 s3, s0;
	s1 =	sshll.u32 s1, $0x11  }
0xba: {  	s0 =	sor.u32 s1, s0  }
0xbb: {  	s0 =	sadd.s32 $0x8F2B, s0  }
0xbc: {  	[sflag:s0] =	ssyncadd.remote.s32 $0x1  }
0xbd: {  	_ =	sfence.sel $0xFFFF  }
0xbe: {  	[dreg:$0x0] =	wrdreg $0xFFFFFFFF;
	(pc) =	sbr.abs _section_cstart, $3  }
0xbf: {  	[dreg:$0x1] =	wrdreg $0xFFFFFFFF  }
0xc0: {  	_ =	task.clear_ibuf [dreg:s6], $0x2FFFF;
	_ =	strace $0x9FFFFFFF  }
0xc1: {  	(tm) =	ssettm $0x7FFFFFFF  }
tec
execute0_lowered:
.L_overlay_start_1:
0x0: {  	(tag) =	ssettag $0x1  }
0x1: {  	s1 =	srdreg.scid  }
0x2: {  	s0 =	stileid.u32;
	s4 =	sand.u32 $0x1, s1  }
0x3: {  	s2 =	sshll.u32 s0, $0x8;
	s3 =	sshll.u32 s4, $0x7  }
0x4: {  	s1 =	rddreg [dreg:$0x0];
	s3 =	sor.u32 s3, s2;
	s2 =	simm.s32 $0x0  }
0x5: {  	s16 =	simm.s32 $0x4080;
	[smem:$0x7FF] =	sst s2  }
0x6: {  	s17 =	simm.s32 $0x4880;
	_ =	strace $0x8000004A;
	[dreg:$0x6] =	wrdreg s16  }
0x7: {  	s18 =	simm.s32 $0x5080;
	[dreg:$0x7] =	wrdreg s17  }
0x8: {  	s19 =	simm.s32 $0x5880;
	[dreg:$0x8] =	wrdreg s18  }
0x9: {  	s20 =	simm.s32 $0x6080;
	[dreg:$0x9] =	wrdreg s19  }
0xa: {  	s21 =	simm.s32 $0x6880;
	[dreg:$0xa] =	wrdreg s20  }
0xb: {  	s22 =	simm.s32 $0x7080;
	[dreg:$0xb] =	wrdreg s21  }
0xc: {  	s23 =	simm.s32 $0x7880;
	[dreg:$0xc] =	wrdreg s22  }
0xd: {  	s24 =	simm.s32 $0x8080;
	[dreg:$0xd] =	wrdreg s23  }
0xe: {  	s25 =	simm.s32 $0x8880;
	[dreg:$0xe] =	wrdreg s24  }
0xf: {  	s26 =	simm.s32 $0x9080;
	[dreg:$0xf] =	wrdreg s25  }
0x10: {  	s0 =	simm.s32 $0x9880;
	[dreg:$0x10] =	wrdreg s26  }
0x11: {  	s6 =	simm.s32 $0xA880;
	s7 =	simm.s32 $0xB080;
	[dreg:$0x11] =	wrdreg s0  }
0x12: {  	s8 =	simm.s32 $0xB880;
	s9 =	simm.s32 $0xC080;
	[dreg:$0x13] =	wrdreg s6  }
0x13: {  	s10 =	simm.s32 $0xC880;
	s11 =	simm.s32 $0xD080;
	[dreg:$0x14] =	wrdreg s7  }
0x14: {  	s12 =	simm.s32 $0xD880;
	s13 =	simm.s32 $0xE880;
	[dreg:$0x15] =	wrdreg s8  }
0x15: {  	s28 =	simm.s32 $0x1A880;
	s29 =	simm.s32 $0x1B080;
	[dreg:$0x16] =	wrdreg s9  }
0x16: {  	s30 =	simm.s32 $0x1B880;
	s31 =	simm.s32 $0x1;
	[dreg:$0x17] =	wrdreg s10  }
0x17: {  	s4 =	ssub.s32 $0x2, s4;
	s5 =	sshrl.u32 s3, $0x3;
	[dreg:$0x18] =	wrdreg s11  }
0x18: {  	s3 =	sshll.u32 s3, $0x7;
	s5 =	sadd.s32 s5, s1;
	[dreg:$0x19] =	wrdreg s12  }
0x19: {  	s3 =	sadd.s32 s3, s1;
	s6 =	sshrl.u32 s4, $0x1;
	[dreg:$0x1a] =	wrdreg s13  }
0x1a: {  	s8 =	simm.s32 $0xF880;
	s16 =	simm.s32 $0x10880;
	s17 =	simm.s32 $0x11080  }
0x1b: {  	s9 =	simm.s32 $0x80;
	s18 =	simm.s32 $0x11880;
	[dreg:$0x1c] =	wrdreg s8  }
0x1c: {  	s10 =	simm.s32 $0x880;
	s19 =	simm.s32 $0x12080;
	[dreg:$0x1e] =	wrdreg s16  }
0x1d: {  	s11 =	simm.s32 $0x1080;
	s20 =	simm.s32 $0x12880;
	[dreg:$0x1f] =	wrdreg s17  }
0x1e: {  	s12 =	simm.s32 $0x1880;
	s21 =	simm.s32 $0x13080;
	[smem:$0x7F5] =	sst s18  }
0x1f: {  	s13 =	simm.s32 $0x2080;
	s22 =	simm.s32 $0x13880;
	[smem:$0x7F6] =	sst s19  }
0x20: {  	s23 =	simm.s32 $0x14080;
	s24 =	simm.s32 $0x14880;
	[smem:$0x7F7] =	sst s20  }
0x21: {  	s25 =	simm.s32 $0x15080;
	s26 =	simm.s32 $0x15880;
	[smem:$0x7F8] =	sst s21  }
0x22: {  	s5 =	sadd.s32 $0x148600, s5;
	s14 =	sadd.s32 $0x48000, s3;
	[smem:$0x7F9] =	sst s22  }
0x23: {  	s15 =	sadd.s32 $0x49C00, s3;
	s3 =	sadd.s32 $0x4B800, s3;
	[smem:$0x7FA] =	sst s23  }
0x24: {  	s7 =	ssub.s32 s4, s6;
	s4 =	sadd.s32 $0x148900, s1;
	[smem:$0x7FB] =	sst s24  }
0x25: {  	s6 =	sadd.s32 $0x148B00, s1;
	s8 =	simm.s32 $0x3;
	[smem:$0x7FC] =	sst s25  }
0x26: {  	s16 =	simm.s32 $0x3880;
	s17 =	simm.s32 $0xE080;
	[smem:$0x7FD] =	sst s26  }
0x27: {  	s19 =	simm.s32 $0x16880;
	s20 =	simm.s32 $0x17080;
	[dreg:$0x2] =	wrdreg s5  }
0x28: {  	s21 =	simm.s32 $0x17880;
	s22 =	simm.s32 $0x18080;
	[dreg:$0x3] =	wrdreg s14  }
0x29: {  	s23 =	simm.s32 $0x18880;
	s24 =	simm.s32 $0x19080;
	[dreg:$0x4] =	wrdreg s15  }
0x2a: {  	s25 =	simm.s32 $0x19880;
	[dreg:$0x5] =	wrdreg s3;
	s5 =	simm.s32 $0xA080  }
0x2b: {  	s26 =	simm.s32 $0x1A080;
	s14 =	simm.s32 $0xF080;
	[dreg:$0x12] =	wrdreg s5  }
0x2c: {  	v2 =	vlaneseq.u32;
	s3 =	sadd.s32 $0x148800, s1;
	s15 =	simm.s32 $0x10080;
	[dreg:$0x1b] =	wrdreg s14  }
0x2d: {  	vm0 =	vmmov $0xffff;
	v1 =	vshrl.u32 v2, $0x3;
	s7 =	smax.u32 s7, $0x1;
	s5 =	sadd.s32 $0x148A00, s1;
	[dreg:$0x1d] =	wrdreg s15  }
0x2e: {  	v0 =	vand.u32 $0x7, v2;
	v2 =	vor.u32 $0x8, v2;
	v1 =	vmul.u32 $0x8, v1;
	s14 =	simm.s32 $0x2880;
	s15 =	simm.s32 $0x3080;
	s1 =	simm.s32 $0x2  }
.LBB2_1:
0x2f: {  	s0 =	rddreg [dreg:$0x2]  }
0x30: {  	[tilespmem:s2], [sflag:$0x3] =	stream.linear.gather [hbm4b:s0+s2], $0x80, $0x38;
	[tilespmem:$0x1C080] =	vst v63  }
0x31: {  	_ =	swait.ge [sflag:s8], $0x80  }
0x32: {  	[sflag:s8] =	ssyncset.done $0x0  }
0x33: {  	[sflag:s8] =	ssyncadd.s32 $0xFFFFFF80  }
0x34: {  	v3 =	vld [tilespmem:$0x0];
	_ =	sdelay $0x4  }
0x35: {  	v4 =	vshll.u32 v3, $0x3  }
0x36: {  	v3 =	vand.u32 $0x7, v3;
	v4 =	vand.u32 $0xFFFFFFC0, v4  }
0x37: {  	v3 =	vor.u32 v3, v4  }
0x38: {  	v4 =	vperm.xlane v3, v0;
	_ =	sdelay $0x1  }
0x39: {  	v4 =	vadd.s32 v1, v4;
	_ =	sdelay $0x4  }
0x3a: {  	[tilespmem:s9], [sflag:$0x1] =	stream.indirect_vreg.gather [hbm4b:s3+s2], $0x80, v4, vm0, $0xb8;
	[tilespmem:$0x1C080] =	vst v63  }
0x3b: {  	v3 =	vperm.xlane v3, v2  }
0x3c: {  	[tilespmem:s10], [sflag:$0x1] =	stream.indirect_vreg.gather [hbm4b:s4+s2], $0x80, v4, vm0, $0xb8;
	[tilespmem:$0x1C080] =	vst v63  }
0x3d: {  	v3 =	vadd.s32 v1, v3  }
0x3e: {  	[tilespmem:s11], [sflag:$0x1] =	stream.indirect_vreg.gather [hbm4b:s5+s2], $0x80, v4, vm0, $0xb8;
	[tilespmem:$0x1C080] =	vst v63  }
0x3f: {  	_ = 	snop  }
0x40: {  	[tilespmem:s12], [sflag:$0x1] =	stream.indirect_vreg.gather [hbm4b:s6+s2], $0x80, v4, vm0, $0xb8;
	[tilespmem:$0x1C080] =	vst v63  }
0x41: {  	_ = 	snop  }
0x42: {  	[tilespmem:s13], [sflag:$0x1] =	stream.indirect_vreg.gather [hbm4b:s3+s2], $0x80, v3, vm0, $0xb8;
	[tilespmem:$0x1C080] =	vst v63  }
0x43: {  	_ = 	snop  }
0x44: {  	[tilespmem:s14], [sflag:$0x1] =	stream.indirect_vreg.gather [hbm4b:s4+s2], $0x80, v3, vm0, $0xb8;
	[tilespmem:$0x1C080] =	vst v63  }
0x45: {  	_ = 	snop  }
0x46: {  	[tilespmem:s15], [sflag:$0x1] =	stream.indirect_vreg.gather [hbm4b:s5+s2], $0x80, v3, vm0, $0xb8;
	[tilespmem:$0x1C080] =	vst v63  }
0x47: {  	_ = 	snop  }
0x48: {  	[tilespmem:s16], [sflag:$0x1] =	stream.indirect_vreg.gather [hbm4b:s6+s2], $0x80, v3, vm0, $0xb8;
	[tilespmem:$0x1C080] =	vst v63  }
0x49: {  	v3 =	vld [tilespmem:$0x10];
	_ =	sdelay $0x4  }
0x4a: {  	v56 =	vshll.u32 v3, $0x3  }
0x4b: {  	v3 =	vand.u32 $0x7, v3;
	v4 =	vand.u32 $0xFFFFFFC0, v56  }
0x4c: {  	v3 =	vor.u32 v3, v4  }
0x4d: {  	v4 =	vperm.xlane v3, v0;
	_ =	sdelay $0x1  }
0x4e: {  	v4 =	vadd.s32 v1, v4;
	_ =	sdelay $0x3  }
0x4f: {  	s0 =	rddreg [dreg:$0x6]  }
0x50: {  	[tilespmem:s0], [sflag:$0x1] =	stream.indirect_vreg.gather [hbm4b:s3+s2], $0x80, v4, vm0, $0xb8;
	[tilespmem:$0x1C080] =	vst v63  }
0x51: {  	s18 =	rddreg [dreg:$0x7];
	v3 =	vperm.xlane v3, v2  }
0x52: {  	[tilespmem:s18], [sflag:$0x1] =	stream.indirect_vreg.gather [hbm4b:s4+s2], $0x80, v4, vm0, $0xb8;
	[tilespmem:$0x1C080] =	vst v63  }
0x53: {  	v3 =	vadd.s32 v1, v3;
	s0 =	rddreg [dreg:$0x8]  }
0x54: {  	[tilespmem:s0], [sflag:$0x1] =	stream.indirect_vreg.gather [hbm4b:s5+s2], $0x80, v4, vm0, $0xb8;
	[tilespmem:$0x1C080] =	vst v63  }
0x55: {  	s18 =	rddreg [dreg:$0x9]  }
0x56: {  	[tilespmem:s18], [sflag:$0x1] =	stream.indirect_vreg.gather [hbm4b:s6+s2], $0x80, v4, vm0, $0xb8;
	[tilespmem:$0x1C080] =	vst v63  }
0x57: {  	s0 =	rddreg [dreg:$0xa]  }
0x58: {  	[tilespmem:s0], [sflag:$0x1] =	stream.indirect_vreg.gather [hbm4b:s3+s2], $0x80, v3, vm0, $0xb8;
	[tilespmem:$0x1C080] =	vst v63  }
0x59: {  	s18 =	rddreg [dreg:$0xb]  }
0x5a: {  	[tilespmem:s18], [sflag:$0x1] =	stream.indirect_vreg.gather [hbm4b:s4+s2], $0x80, v3, vm0, $0xb8;
	[tilespmem:$0x1C080] =	vst v63  }
0x5b: {  	s0 =	rddreg [dreg:$0xc]  }
0x5c: {  	[tilespmem:s0], [sflag:$0x1] =	stream.indirect_vreg.gather [hbm4b:s5+s2], $0x80, v3, vm0, $0xb8;
	[tilespmem:$0x1C080] =	vst v63  }
0x5d: {  	s18 =	rddreg [dreg:$0xd]  }
0x5e: {  	[tilespmem:s18], [sflag:$0x1] =	stream.indirect_vreg.gather [hbm4b:s6+s2], $0x80, v3, vm0, $0xb8;
	[tilespmem:$0x1C080] =	vst v63  }
0x5f: {  	v3 =	vld [tilespmem:$0x20];
	_ =	sdelay $0x4  }
0x60: {  	v57 =	vshll.u32 v3, $0x3  }
0x61: {  	v3 =	vand.u32 $0x7, v3;
	v4 =	vand.u32 $0xFFFFFFC0, v57  }
0x62: {  	v3 =	vor.u32 v3, v4  }
0x63: {  	v4 =	vperm.xlane v3, v0;
	_ =	sdelay $0x1  }
0x64: {  	v4 =	vadd.s32 v1, v4;
	_ =	sdelay $0x3  }
0x65: {  	s0 =	rddreg [dreg:$0xe]  }
0x66: {  	[tilespmem:s0], [sflag:$0x1] =	stream.indirect_vreg.gather [hbm4b:s3+s2], $0x80, v4, vm0, $0xb8;
	[tilespmem:$0x1C080] =	vst v63  }
0x67: {  	s18 =	rddreg [dreg:$0xf];
	v3 =	vperm.xlane v3, v2  }
0x68: {  	[tilespmem:s18], [sflag:$0x1] =	stream.indirect_vreg.gather [hbm4b:s4+s2], $0x80, v4, vm0, $0xb8;
	[tilespmem:$0x1C080] =	vst v63  }
0x69: {  	v3 =	vadd.s32 v1, v3;
	s0 =	rddreg [dreg:$0x10]  }
0x6a: {  	[tilespmem:s0], [sflag:$0x1] =	stream.indirect_vreg.gather [hbm4b:s5+s2], $0x80, v4, vm0, $0xb8;
	[tilespmem:$0x1C080] =	vst v63  }
0x6b: {  	s18 =	rddreg [dreg:$0x11]  }
0x6c: {  	[tilespmem:s18], [sflag:$0x1] =	stream.indirect_vreg.gather [hbm4b:s6+s2], $0x80, v4, vm0, $0xb8;
	[tilespmem:$0x1C080] =	vst v63  }
0x6d: {  	s0 =	rddreg [dreg:$0x12]  }
0x6e: {  	[tilespmem:s0], [sflag:$0x1] =	stream.indirect_vreg.gather [hbm4b:s3+s2], $0x80, v3, vm0, $0xb8;
	[tilespmem:$0x1C080] =	vst v63  }
0x6f: {  	s18 =	rddreg [dreg:$0x13]  }
0x70: {  	[tilespmem:s18], [sflag:$0x1] =	stream.indirect_vreg.gather [hbm4b:s4+s2], $0x80, v3, vm0, $0xb8;
	[tilespmem:$0x1C080] =	vst v63  }
0x71: {  	s0 =	rddreg [dreg:$0x14]  }
0x72: {  	[tilespmem:s0], [sflag:$0x1] =	stream.indirect_vreg.gather [hbm4b:s5+s2], $0x80, v3, vm0, $0xb8;
	[tilespmem:$0x1C080] =	vst v63  }
0x73: {  	s18 =	rddreg [dreg:$0x15]  }
0x74: {  	[tilespmem:s18], [sflag:$0x1] =	stream.indirect_vreg.gather [hbm4b:s6+s2], $0x80, v3, vm0, $0xb8;
	[tilespmem:$0x1C080] =	vst v63  }
0x75: {  	v3 =	vld.msk [tilespmem:$0x30], $0xff;
	_ =	sdelay $0x4  }
0x76: {  	v58 =	vshll.u32 v3, $0x3  }
0x77: {  	v3 =	vand.u32 $0x7, v3;
	v4 =	vand.u32 $0xFFFFFFC0, v58  }
0x78: {  	v3 =	vor.u32 v3, v4  }
0x79: {  	v3 =	vperm.xlane v3, v0;
	_ =	sdelay $0x1  }
0x7a: {  	v3 =	vadd.s32 v1, v3;
	_ =	sdelay $0x3  }
0x7b: {  	s0 =	rddreg [dreg:$0x16]  }
0x7c: {  	[tilespmem:s0], [sflag:$0x1] =	stream.indirect_vreg.gather [hbm4b:s3+s2], $0x80, v3, vm0, $0xb8;
	[tilespmem:$0x1C080] =	vst v63  }
0x7d: {  	s18 =	rddreg [dreg:$0x17]  }
0x7e: {  	[tilespmem:s18], [sflag:$0x1] =	stream.indirect_vreg.gather [hbm4b:s4+s2], $0x80, v3, vm0, $0xb8;
	[tilespmem:$0x1C080] =	vst v63  }
0x7f: {  	s0 =	rddreg [dreg:$0x18]  }
0x80: {  	[tilespmem:s0], [sflag:$0x1] =	stream.indirect_vreg.gather [hbm4b:s5+s2], $0x80, v3, vm0, $0xb8;
	[tilespmem:$0x1C080] =	vst v63  }
0x81: {  	s18 =	rddreg [dreg:$0x19]  }
0x82: {  	[tilespmem:s18], [sflag:$0x1] =	stream.indirect_vreg.gather [hbm4b:s6+s2], $0x80, v3, vm0, $0xb8;
	[tilespmem:$0x1C080] =	vst v63  }
0x83: {  	v3 =	vld [tilespmem:$0x38];
	_ =	sdelay $0x4  }
0x84: {  	v59 =	vshll.u32 v3, $0x3  }
0x85: {  	v3 =	vand.u32 $0x7, v3;
	v4 =	vand.u32 $0xFFFFFFC0, v59  }
0x86: {  	v3 =	vor.u32 v3, v4  }
0x87: {  	v4 =	vperm.xlane v3, v0;
	_ =	sdelay $0x1  }
0x88: {  	v4 =	vadd.s32 v1, v4;
	_ =	sdelay $0x3  }
0x89: {  	s0 =	rddreg [dreg:$0x1a]  }
0x8a: {  	[tilespmem:s17], [sflag:$0x1] =	stream.indirect_vreg.gather [hbm4b:s3+s2], $0x80, v4, vm0, $0xb8;
	[tilespmem:$0x1C080] =	vst v63  }
0x8b: {  	s18 =	rddreg [dreg:$0x1b];
	v3 =	vperm.xlane v3, v2  }
0x8c: {  	[tilespmem:s0], [sflag:$0x1] =	stream.indirect_vreg.gather [hbm4b:s4+s2], $0x80, v4, vm0, $0xb8;
	[tilespmem:$0x1C080] =	vst v63  }
0x8d: {  	v3 =	vadd.s32 v1, v3;
	s0 =	rddreg [dreg:$0x1c]  }
0x8e: {  	[tilespmem:s18], [sflag:$0x1] =	stream.indirect_vreg.gather [hbm4b:s5+s2], $0x80, v4, vm0, $0xb8;
	[tilespmem:$0x1C080] =	vst v63  }
0x8f: {  	s18 =	rddreg [dreg:$0x1d]  }
0x90: {  	[tilespmem:s0], [sflag:$0x1] =	stream.indirect_vreg.gather [hbm4b:s6+s2], $0x80, v4, vm0, $0xb8;
	[tilespmem:$0x1C080] =	vst v63  }
0x91: {  	s0 =	rddreg [dreg:$0x1e]  }
0x92: {  	[tilespmem:s18], [sflag:$0x1] =	stream.indirect_vreg.gather [hbm4b:s3+s2], $0x80, v3, vm0, $0xb8;
	[tilespmem:$0x1C080] =	vst v63  }
0x93: {  	s18 =	rddreg [dreg:$0x1f]  }
0x94: {  	[tilespmem:s0], [sflag:$0x1] =	stream.indirect_vreg.gather [hbm4b:s4+s2], $0x80, v3, vm0, $0xb8;
	[tilespmem:$0x1C080] =	vst v63  }
0x95: {  	s0 =	sld [smem:$0x7F5]  }
0x96: {  	[tilespmem:s18], [sflag:$0x1] =	stream.indirect_vreg.gather [hbm4b:s5+s2], $0x80, v3, vm0, $0xb8;
	[tilespmem:$0x1C080] =	vst v63  }
0x97: {  	_ = 	snop  }
0x98: {  	[tilespmem:s0], [sflag:$0x1] =	stream.indirect_vreg.gather [hbm4b:s6+s2], $0x80, v3, vm0, $0xb8;
	[tilespmem:$0x1C080] =	vst v63  }
0x99: {  	v3 =	vld [tilespmem:$0x48];
	_ =	sdelay $0x4  }
0x9a: {  	v60 =	vshll.u32 v3, $0x3  }
0x9b: {  	v3 =	vand.u32 $0x7, v3;
	v4 =	vand.u32 $0xFFFFFFC0, v60  }
0x9c: {  	v3 =	vor.u32 v3, v4  }
0x9d: {  	v4 =	vperm.xlane v3, v0;
	_ =	sdelay $0x1  }
0x9e: {  	v4 =	vadd.s32 v1, v4;
	_ =	sdelay $0x1  }
0x9f: {  	s0 =	sld [smem:$0x7F6];
	_ =	sdelay $0x1  }
0xa0: {  	s18 =	sld [smem:$0x7F7]  }
0xa1: {  	[tilespmem:s0], [sflag:$0x1] =	stream.indirect_vreg.gather [hbm4b:s3+s2], $0x80, v4, vm0, $0xb8;
	[tilespmem:$0x1C080] =	vst v63  }
0xa2: {  	v3 =	vperm.xlane v3, v2;
	s0 =	sld [smem:$0x7F8]  }
0xa3: {  	[tilespmem:s18], [sflag:$0x1] =	stream.indirect_vreg.gather [hbm4b:s4+s2], $0x80, v4, vm0, $0xb8;
	[tilespmem:$0x1C080] =	vst v63  }
0xa4: {  	v3 =	vadd.s32 v1, v3;
	s18 =	sld [smem:$0x7F9]  }
0xa5: {  	[tilespmem:s0], [sflag:$0x1] =	stream.indirect_vreg.gather [hbm4b:s5+s2], $0x80, v4, vm0, $0xb8;
	[tilespmem:$0x1C080] =	vst v63  }
0xa6: {  	s0 =	sld [smem:$0x7FA]  }
0xa7: {  	[tilespmem:s18], [sflag:$0x1] =	stream.indirect_vreg.gather [hbm4b:s6+s2], $0x80, v4, vm0, $0xb8;
	[tilespmem:$0x1C080] =	vst v63  }
0xa8: {  	s18 =	sld [smem:$0x7FB]  }
0xa9: {  	[tilespmem:s0], [sflag:$0x1] =	stream.indirect_vreg.gather [hbm4b:s3+s2], $0x80, v3, vm0, $0xb8;
	[tilespmem:$0x1C080] =	vst v63  }
0xaa: {  	s0 =	sld [smem:$0x7FC]  }
0xab: {  	[tilespmem:s18], [sflag:$0x1] =	stream.indirect_vreg.gather [hbm4b:s4+s2], $0x80, v3, vm0, $0xb8;
	[tilespmem:$0x1C080] =	vst v63  }
0xac: {  	s18 =	sld [smem:$0x7FD]  }
0xad: {  	[tilespmem:s0], [sflag:$0x1] =	stream.indirect_vreg.gather [hbm4b:s5+s2], $0x80, v3, vm0, $0xb8;
	[tilespmem:$0x1C080] =	vst v63  }
0xae: {  	_ = 	snop  }
0xaf: {  	[tilespmem:s18], [sflag:$0x1] =	stream.indirect_vreg.gather [hbm4b:s6+s2], $0x80, v3, vm0, $0xb8;
	[tilespmem:$0x1C080] =	vst v63  }
0xb0: {  	v3 =	vld [tilespmem:$0x58];
	_ =	sdelay $0x4  }
0xb1: {  	v61 =	vshll.u32 v3, $0x3  }
0xb2: {  	v3 =	vand.u32 $0x7, v3;
	v4 =	vand.u32 $0xFFFFFFC0, v61  }
0xb3: {  	v3 =	vor.u32 v3, v4  }
0xb4: {  	v4 =	vperm.xlane v3, v0;
	_ =	sdelay $0x1  }
0xb5: {  	v4 =	vadd.s32 v1, v4;
	_ =	sdelay $0x3  }
0xb6: {  	s18 =	simm.s32 $0x16080  }
0xb7: {  	[tilespmem:s18], [sflag:$0x1] =	stream.indirect_vreg.gather [hbm4b:s3+s2], $0x80, v4, vm0, $0xb8;
	[tilespmem:$0x1C080] =	vst v63  }
0xb8: {  	v3 =	vperm.xlane v3, v2  }
0xb9: {  	[tilespmem:s19], [sflag:$0x1] =	stream.indirect_vreg.gather [hbm4b:s4+s2], $0x80, v4, vm0, $0xb8;
	[tilespmem:$0x1C080] =	vst v63  }
0xba: {  	v3 =	vadd.s32 v1, v3  }
0xbb: {  	[tilespmem:s20], [sflag:$0x1] =	stream.indirect_vreg.gather [hbm4b:s5+s2], $0x80, v4, vm0, $0xb8;
	[tilespmem:$0x1C080] =	vst v63  }
0xbc: {  	_ = 	snop  }
0xbd: {  	[tilespmem:s21], [sflag:$0x1] =	stream.indirect_vreg.gather [hbm4b:s6+s2], $0x80, v4, vm0, $0xb8;
	[tilespmem:$0x1C080] =	vst v63  }
0xbe: {  	_ = 	snop  }
0xbf: {  	[tilespmem:s22], [sflag:$0x1] =	stream.indirect_vreg.gather [hbm4b:s3+s2], $0x80, v3, vm0, $0xb8;
	[tilespmem:$0x1C080] =	vst v63  }
0xc0: {  	_ = 	snop  }
0xc1: {  	[tilespmem:s23], [sflag:$0x1] =	stream.indirect_vreg.gather [hbm4b:s4+s2], $0x80, v3, vm0, $0xb8;
	[tilespmem:$0x1C080] =	vst v63  }
0xc2: {  	_ = 	snop  }
0xc3: {  	[tilespmem:s24], [sflag:$0x1] =	stream.indirect_vreg.gather [hbm4b:s5+s2], $0x80, v3, vm0, $0xb8;
	[tilespmem:$0x1C080] =	vst v63  }
0xc4: {  	_ = 	snop  }
0xc5: {  	[tilespmem:s25], [sflag:$0x1] =	stream.indirect_vreg.gather [hbm4b:s6+s2], $0x80, v3, vm0, $0xb8;
	[tilespmem:$0x1C080] =	vst v63  }
0xc6: {  	v3 =	vld.msk [tilespmem:$0x68], $0xff;
	_ =	sdelay $0x4  }
0xc7: {  	v62 =	vshll.u32 v3, $0x3  }
0xc8: {  	v3 =	vand.u32 $0x7, v3;
	v4 =	vand.u32 $0xFFFFFFC0, v62  }
0xc9: {  	v3 =	vor.u32 v3, v4  }
0xca: {  	v3 =	vperm.xlane v3, v0;
	_ =	sdelay $0x1  }
0xcb: {  	v3 =	vadd.s32 v1, v3;
	_ =	sdelay $0x4  }
0xcc: {  	[tilespmem:s26], [sflag:$0x1] =	stream.indirect_vreg.gather [hbm4b:s3+s2], $0x80, v3, vm0, $0xb8;
	[tilespmem:$0x1C080] =	vst v63  }
0xcd: {  	_ = 	snop  }
0xce: {  	[tilespmem:s28], [sflag:$0x1] =	stream.indirect_vreg.gather [hbm4b:s4+s2], $0x80, v3, vm0, $0xb8;
	[tilespmem:$0x1C080] =	vst v63  }
0xcf: {  	_ = 	snop  }
0xd0: {  	[tilespmem:s29], [sflag:$0x1] =	stream.indirect_vreg.gather [hbm4b:s5+s2], $0x80, v3, vm0, $0xb8;
	[tilespmem:$0x1C080] =	vst v63  }
0xd1: {  	_ = 	snop  }
0xd2: {  	[tilespmem:s30], [sflag:$0x1] =	stream.indirect_vreg.gather [hbm4b:s6+s2], $0x80, v3, vm0, $0xb8;
	[tilespmem:$0x1C080] =	vst v63  }
0xd3: {  	_ =	swait.ge [sflag:s31], $0xE000  }
0xd4: {  	[sflag:s31] =	ssyncset.done $0x0  }
0xd5: {  	s18 =	rddreg [dreg:$0x3];
	[sflag:s31] =	ssyncadd.s32 $0xFFFF2000  }
0xd6: {  	[hbm4b:s18+s2] =	stream.linear.scatter [tilespmem:s9], [sflag:$0x2], $0xE000, $0x38;
	[tilespmem:$0x1C080] =	vst v63  }
0xd7: {  	_ =	swait.ge [sflag:s1], $0xE000  }
0xd8: {  	[sflag:s1] =	ssyncset.done $0x0  }
0xd9: {  	[sflag:s1] =	ssyncadd.s32 $0xFFFF2000  }
0xda: {  	v3 =	vld [tilespmem:$0x70];
	_ =	sdelay $0x4  }
0xdb: {  	v63 =	vshll.u32 v3, $0x3  }
0xdc: {  	v3 =	vand.u32 $0x7, v3;
	v4 =	vand.u32 $0xFFFFFFC0, v63  }
0xdd: {  	v3 =	vor.u32 v3, v4  }
0xde: {  	v4 =	vperm.xlane v3, v0;
	_ =	sdelay $0x1  }
0xdf: {  	v4 =	vadd.s32 v1, v4;
	_ =	sdelay $0x4  }
0xe0: {  	[tilespmem:s9], [sflag:$0x1] =	stream.indirect_vreg.gather [hbm4b:s3+s2], $0x80, v4, vm0, $0xb8;
	[tilespmem:$0x1C080] =	vst v63  }
0xe1: {  	v3 =	vperm.xlane v3, v2  }
0xe2: {  	[tilespmem:s10], [sflag:$0x1] =	stream.indirect_vreg.gather [hbm4b:s4+s2], $0x80, v4, vm0, $0xb8;
	[tilespmem:$0x1C080] =	vst v63  }
0xe3: {  	v3 =	vadd.s32 v1, v3  }
0xe4: {  	[tilespmem:s11], [sflag:$0x1] =	stream.indirect_vreg.gather [hbm4b:s5+s2], $0x80, v4, vm0, $0xb8;
	[tilespmem:$0x1C080] =	vst v63  }
0xe5: {  	_ = 	snop  }
0xe6: {  	[tilespmem:s12], [sflag:$0x1] =	stream.indirect_vreg.gather [hbm4b:s6+s2], $0x80, v4, vm0, $0xb8;
	[tilespmem:$0x1C080] =	vst v63  }
0xe7: {  	_ = 	snop  }
0xe8: {  	[tilespmem:s13], [sflag:$0x1] =	stream.indirect_vreg.gather [hbm4b:s3+s2], $0x80, v3, vm0, $0xb8;
	[tilespmem:$0x1C080] =	vst v63  }
0xe9: {  	_ = 	snop  }
0xea: {  	[tilespmem:s14], [sflag:$0x1] =	stream.indirect_vreg.gather [hbm4b:s4+s2], $0x80, v3, vm0, $0xb8;
	[tilespmem:$0x1C080] =	vst v63  }
0xeb: {  	_ = 	snop  }
0xec: {  	[tilespmem:s15], [sflag:$0x1] =	stream.indirect_vreg.gather [hbm4b:s5+s2], $0x80, v3, vm0, $0xb8;
	[tilespmem:$0x1C080] =	vst v63  }
0xed: {  	_ = 	snop  }
0xee: {  	[tilespmem:s16], [sflag:$0x1] =	stream.indirect_vreg.gather [hbm4b:s6+s2], $0x80, v3, vm0, $0xb8;
	[tilespmem:$0x1C080] =	vst v63  }
0xef: {  	_ =	swait.ge [sflag:s31], $0xE000  }
0xf0: {  	[sflag:s31] =	ssyncset.done $0x0  }
0xf1: {  	s18 =	rddreg [dreg:$0x4];
	[sflag:s31] =	ssyncadd.s32 $0xFFFF2000  }
0xf2: {  	[hbm4b:s18+s2] =	stream.linear.scatter [tilespmem:s17], [sflag:$0x2], $0xE000, $0x38;
	[tilespmem:$0x1C080] =	vst v63  }
0xf3: {  	_ =	swait.ge [sflag:s31], $0x4000  }
0xf4: {  	[sflag:s31] =	ssyncset.done $0x0  }
0xf5: {  	s18 =	rddreg [dreg:$0x5];
	[sflag:s31] =	ssyncadd.s32 $0xFFFFC000  }
0xf6: {  	[hbm4b:s18+s2] =	stream.linear.scatter [tilespmem:s9], [sflag:$0x2], $0x4000, $0x38;
	[tilespmem:$0x1C080] =	vst v63  }
0xf7: {  	p0 =	sne.s32 s7, $0x1;
	_ =	swait.ge [sflag:s1], $0x4000  }
.Ltmp0:
0xf8: {  	[sflag:s1] =	ssyncset.done $0x0;
	(pc) =	sbr.rel @p0 .LBB2_1-.Ltmp0, $4  }
0xf9: {  	[sflag:s1] =	ssyncadd.s32 $0xFFFFC000  }
0xfa: {  	_ =	swait.ge [sflag:s1], $0xE000  }
0xfb: {  	[sflag:s1] =	ssyncset.done $0x0  }
0xfc: {  	s7 =	sadd.s32 $0xFFFFFFFF, s7;
	[sflag:s1] =	ssyncadd.s32 $0xFFFF2000  }
0xfd: {  	_ =	sfence.sel $0x180000  }
0xfe: {  	[bflag:$0x0] =	sbarrier.arrive $0xFFFF  }
0xff: {  	_ =	strace $0x9000004A  }
0x100: {  	s0 =	stileid.u32;
	[bflag:$0x2] =	sbarrier.arrive $0xFFFF  }
0x101: {  	p0 =	sne.s32 s0, $0x0;
	s0 =	rddreg [dreg:$0x1]  }
0x102: {  	s0 =	sadd.s32 @!p0 $0x100000, s0  }
0x103: {  	[sflag:s0] =	ssyncadd.tile.s32 @!p0 $0x1;
	_ =	shalt  }
.Lfunc_end2:
_tile_overlayer_lowered:
.L_overlay_start_2:
0x104: {  	(tag) =	ssettag $0x2  }
0x105: {  	s0 =	rddreg [dreg:$0x0];
	s2 =	stileid.u32  }
0x106: {  	s1 =	rddreg [dreg:$0x1];
	p0 =	sne.s32 s2, $0x0  }
0x107: {  	s3 =	rddreg [dreg:$0x2];
	[bflag:$0x3] =	sbarrier.arrive $0xFFFF;
	s2 =	simm.s32 @!p0 $0x1C03  }
0x108: {  	[timem:s3], [sflag:s2] =	dma.local @!p0 [hbm:s0], s1  }
0x109: {  	s0 =	simm.s32 @!p0 $0x3  }
0x10a: {  	_ =	swait.ge @!p0 [sflag:s0], s1  }
0x10b: {  	s1 =	ssub.s32 @!p0 $0x0, s1;
	[sflag:s0] =	ssyncset.done @!p0 $0x0  }
0x10c: {  	[sflag:s0] =	ssyncadd.s32 @!p0 s1  }
0x10d: {  	[bflag:$0x3] =	sbarrier.arrive $0xFFFF  }
0x10e: {  	_ =	shalt  }

// kernel: kernel.9.cloned.1.call-start
scs
__scs_entry_jumppad:
0x0: {  	(pc) =	sbr.rel $0x88, $3  }
0x1: {  	(tag) =	ssettag $0x0;
	lr =	simm.s32 $0x1  }
0x2: {  	[smem:$0x3F96] =	sst lr;
	_ =	strace $0xD0000000  }
0x3: {  	_ = 	snop  }
0x4: {  	_ = 	snop  }
0x5: {  	_ = 	snop  }
0x6: {  	_ = 	snop  }
0x7: {  	_ = 	snop  }
__scs_overlays_trampoline_lowered:
0x8: {  	[smem:$0x3FA5] =	sst s0  }
0x9: {  	[smem:$0x3FA6] =	sst s1  }
0xa: {  	[smem:$0x3FA7] =	sst s2  }
0xb: {  	[smem:$0x3FA8] =	sst s3  }
0xc: {  	[smem:$0x3FA9] =	sst s4  }
0xd: {  	[smem:$0x3FAA] =	sst s5  }
0xe: {  	[smem:$0x3FAB] =	sst s6  }
0xf: {  	[smem:$0x3FAC] =	sst s7  }
0x10: {  	[smem:$0x3FAD] =	sst s8  }
0x11: {  	[smem:$0x3FAE] =	sst s9;
	s0 =	simm.s32 @!p0 $0x0  }
0x12: {  	s1 =	sld [smem:$0x3F94];
	s0 =	simm.s32 @p0 $0x1  }
0x13: {  	[smem:$0x3FAF] =	sst s0;
	s0 =	simm.s32 @!p1 $0x0  }
0x14: {  	s2 =	sld [smem:$0x3F93];
	s0 =	simm.s32 @p1 $0x1  }
0x15: {  	[smem:$0x3FB0] =	sst s0;
	s0 =	simm.s32 @!p2 $0x0  }
0x16: {  	s3 =	sld [smem:$0x3FDB];
	s0 =	simm.s32 @p2 $0x1  }
0x17: {  	s4 =	simm.s32 $0x1BF5;
	[smem:$0x3FB2] =	sst s0  }
0x18: {  	s0 =	sld [smem:$0x3F95];
	_ =	swait.ge [sflag:s4], $0x0  }
0x19: {  	s7 =	sld [smem:$0x3F96]  }
0x1a: {  	s8 =	sadd.s32 $0xFFFFE003, lr  }
0x1b: {  	s9 =	sadd.s32 $0xFFFFFEF7, lr;
	s5 =	simm.s32 $0xFFFFFFFF;
	p2 =	slt.u32 s8, $0xFFFFF086  }
0x1c: {  	p1 =	slt.u32 s9, $0xF7A;
	s5 =	simm.s32 @!p2 $0x0  }
0x1d: {  	s5 =	simm.s32 @p1 $0x1;
	p0 =	seq.s32 s7, s2  }
0x1e: {  	s7 =	smul.u32 @!p0 $0xF7A, s2;
	p2 =	seq.s32 @!p0 s5, $0x0  }
0x1f: {  	s9 =	smul.u32 $0xF7A, s1;
	s8 =	simm.s32 @!p0 $0x1BF5;
	p2 =	por !p2, p0  }
0x20: {  	[sflag:s8] =	ssyncset.s32 @!p0 $0xFFFFF086;
	s6 =	sadd.s32 @!p0 s3, s7;
	s7 =	simm.s32 @!p0 $0x108  }
0x21: {  	s3 =	sadd.s32 s3, s9;
	s6 =	sadd.s32 @!p0 $0x88, s6;
	s7 =	simm.s32 @p2 $0x1082  }
0x22: {  	[simem:s7], [sflag:s8] =	dma.local @!p0 [hbm:s6], $0xF7A  }
0x23: {  	s9 =	sor.u32 $0xD0000000, s2;
	s6 =	simm.s32 $0x108;
	_ =	swait.ge @!p0 [sflag:s8], $0x0  }
0x24: {  	s3 =	sadd.s32 $0x88, s3;
	s6 =	simm.s32 @!p1 $0x1082;
	[sflag:s4] =	ssyncset.s32 $0xFFFFF086  }
0x25: {  	[simem:s6], [sflag:s4] =	dma.local [hbm:s3], $0xF7A  }
0x26: {  	[smem:$0x3F96] =	sst s1;
	(tag) =	ssettag s2;
	_ =	strace s9  }
0x27: {  	s1 =	sld [smem:$0x3FA6]  }
0x28: {  	s2 =	sld [smem:$0x3FA7]  }
0x29: {  	s4 =	sld [smem:$0x3FA9]  }
0x2a: {  	p0 =	seq.s32 s5, $0x0;
	s5 =	sld [smem:$0x3FAA]  }
0x2b: {  	s6 =	sld [smem:$0x3FAB]  }
0x2c: {  	s7 =	sld [smem:$0x3FAC]  }
0x2d: {  	s3 =	simm.s32 $0x108;
	s8 =	sld [smem:$0x3FAD]  }
0x2e: {  	s3 =	simm.s32 @!p0 $0x1082;
	s9 =	sld [smem:$0x3FAE]  }
0x2f: {  	lr =	sadd.s32 s0, s3;
	s0 =	sld [smem:$0x3FA5]  }
0x30: {  	s3 =	sld [smem:$0x3FA8]  }
0x31: {  	[smem:$0x3FB1] =	sst s10  }
0x32: {  	s10 =	sld [smem:$0x3FAF];
	_ =	sdelay $0x3  }
0x33: {  	p0 =	seq.s32 s10, $0x1;
	s10 =	sld [smem:$0x3FB1];
	_ =	sdelay $0x3  }
0x34: {  	[smem:$0x3FB1] =	sst s10  }
0x35: {  	s10 =	sld [smem:$0x3FB0];
	_ =	sdelay $0x3  }
0x36: {  	p1 =	seq.s32 s10, $0x1;
	s10 =	sld [smem:$0x3FB1];
	_ =	sdelay $0x3  }
0x37: {  	[smem:$0x3FB1] =	sst s10  }
0x38: {  	s10 =	sld [smem:$0x3FB2]  }
0x39: {  	_ = 	snop;
	(pc) =	sbr.ind lr, $3  }
0x3a: {  	_ = 	snop  }
0x3b: {  	_ = 	snop  }
0x3c: {  	p2 =	seq.s32 s10, $0x1;
	s10 =	sld [smem:$0x3FB1]  }
0x3d: {  	_ =	shalt  }
0x3e: {  	_ =	shalt  }
0x3f: {  	_ =	shalt  }
0x40: {  	_ =	shalt  }
0x41: {  	_ =	shalt  }
0x42: {  	_ =	shalt  }
0x43: {  	_ =	shalt  }
0x44: {  	_ =	shalt  }
0x45: {  	_ =	shalt  }
0x46: {  	_ =	shalt  }
0x47: {  	_ =	shalt  }
0x48: {  	_ =	shalt  }
0x49: {  	_ =	shalt  }
0x4a: {  	_ =	shalt  }
0x4b: {  	_ =	shalt  }
0x4c: {  	_ =	shalt  }
0x4d: {  	_ =	shalt  }
0x4e: {  	_ =	shalt  }
0x4f: {  	_ =	shalt  }
0x50: {  	_ =	shalt  }
0x51: {  	_ =	shalt  }
0x52: {  	_ =	shalt  }
0x53: {  	_ =	shalt  }
0x54: {  	_ =	shalt  }
0x55: {  	_ =	shalt  }
0x56: {  	_ =	shalt  }
0x57: {  	_ =	shalt  }
0x58: {  	_ =	shalt  }
0x59: {  	_ =	shalt  }
0x5a: {  	_ =	shalt  }
0x5b: {  	_ =	shalt  }
0x5c: {  	_ =	shalt  }
0x5d: {  	_ =	shalt  }
0x5e: {  	_ =	shalt  }
0x5f: {  	_ =	shalt  }
0x60: {  	_ =	shalt  }
0x61: {  	_ =	shalt  }
0x62: {  	_ =	shalt  }
0x63: {  	_ =	shalt  }
0x64: {  	_ =	shalt  }
0x65: {  	_ =	shalt  }
0x66: {  	_ =	shalt  }
0x67: {  	_ =	shalt  }
0x68: {  	_ =	shalt  }
0x69: {  	_ =	shalt  }
0x6a: {  	_ =	shalt  }
0x6b: {  	_ =	shalt  }
0x6c: {  	_ =	shalt  }
0x6d: {  	_ =	shalt  }
0x6e: {  	_ =	shalt  }
0x6f: {  	_ =	shalt  }
0x70: {  	_ =	shalt  }
0x71: {  	_ =	shalt  }
0x72: {  	_ =	shalt  }
0x73: {  	_ =	shalt  }
0x74: {  	_ =	shalt  }
0x75: {  	_ =	shalt  }
0x76: {  	_ =	shalt  }
0x77: {  	_ =	shalt  }
0x78: {  	_ =	shalt  }
0x79: {  	_ =	shalt  }
0x7a: {  	_ =	shalt  }
0x7b: {  	_ =	shalt  }
0x7c: {  	_ =	shalt  }
0x7d: {  	_ =	shalt  }
0x7e: {  	_ =	shalt  }
0x7f: {  	_ =	shalt  }
0x80: {  	_ =	shalt  }
0x81: {  	_ =	shalt  }
0x82: {  	_ =	shalt  }
0x83: {  	_ =	shalt  }
0x84: {  	_ =	shalt  }
0x85: {  	_ =	shalt  }
0x86: {  	_ =	shalt  }
0x87: {  	_ =	shalt  }
.Lfunc_end0:
.L_simem_size_0:
called_computation_lowered:
.L_overlay_start_0:
0x88: {  	s2 =	sld [smem:$0x3FD9]  }
0x89: {  	s3 =	sld [smem:$0x3FFE];
	_ =	sdelay $0x1  }
0x8a: {  	s1 =	srdreg.scid  }
0x8b: {  	s0 =	sand.u32 $0x1, s1  }
0x8c: {  	s16 =	sshll.u32 s0, $0xA;
	s2 =	sadd.s32 s3, s2  }
0x8d: {  	s2 =	sadd.s32 s2, s16  }
0x8e: {  	[smem:$0x3FBD] =	sst s2  }
0x8f: {  	_ = 	snop  }
0x90: {  	(tm) =	ssettm $0x1  }
0x91: {  	s17 =	sld [smem:$0x3FFB];
	_ =	sdelay $0x3  }
0x92: {  	_ =	strace s17  }
0x93: {  	s2 =	sld [smem:$0x3FFC];
	_ =	sdelay $0x3  }
0x94: {  	_ =	strace s2  }
0x95: {  	s2 =	sld [smem:$0x3FFD];
	_ =	sdelay $0x3  }
0x96: {  	_ =	strace s2  }
0x97: {  	_ =	strace $0x8FFFFFFF  }
0x98: {  	s18 =	sld [smem:$0x3FDB];
	_ =	sdelay $0x1  }
0x99: {  	s19 =	simm.s32 $_scs_section_size  }
0x9a: {  	s4 =	simm.s32 $_size__tile_overlayer_lowered;
	s5 =	simm.s32 $_tile_overlayer_lowered  }
0x9b: {  	s22 =	simm.s32 $0x1BFF;
	s21 =	sshll.u32 s5, $0x1;
	s2 =	sadd.s32 s19, s18  }
0x9c: {  	s6 =	simm.s32 $0x0;
	s20 =	sshll.u32 s4, $0x1;
	s4 =	sadd.s32 s21, s2  }
0x9d: {  	[timem:s6], [sflag:s22] =	dma.local [hbm:s4], s20  }
0x9e: {  	_ =	swait.ge [sflag:s22], s20  }
0x9f: {  	s3 =	ssub.s32 $0x0, s20;
	[sflag:s22] =	ssyncset.done $0x0  }
0xa0: {  	[sflag:s22] =	ssyncadd.s32 s3;
	_ =	sdelay $0x1  }
0xa1: {  	s23 =	simm.s32 $0x1B8B  }
0xa2: {  	_ =	swait.ge [sflag:s23], $0x1  }
0xa3: {  	[sflag:s23] =	ssyncset.done $0x0  }
0xa4: {  	s25 =	simm.s32 $0x1B8E;
	s24 =	sld [smem:$0x3FFE];
	[sflag:s23] =	ssyncadd.s32 $0xFFFFFFFF  }
0xa5: {  	s26 =	simm.s32 $execute0_lowered;
	[smem:$0x3FD2] =	sst s25  }
0xa6: {  	s4 =	sshll.u32 s26, $0x1;
	_ =	strace $0x80000046;
	[dreg:$0x1] =	wrdreg $0xFFFFFFFF  }
0xa7: {  	s28 =	simm.s32 $_size_execute0_lowered;
	s2 =	sadd.s32 s2, s4;
	[dreg:$0x0] =	wrdreg $0x0  }
0xa8: {  	s4 =	sshll.u32 s28, $0x1;
	[dreg:$0x2] =	wrdreg s2  }
0xa9: {  	[dreg:$0x3] =	wrdreg s4  }
0xaa: {  	[dreg:$0x4] =	wrdreg $0xC0  }
0xab: {  	_ =	task [dreg:s6], $0x5FFFF  }
0xac: {  	[dreg:$0x1] =	wrdreg $0xFFFFFFFF  }
0xad: {  	[dreg:$0x0] =	wrdreg $0x60  }
0xae: {  	[dreg:$0x2] =	wrdreg s24  }
0xaf: {  	[dreg:$0x3] =	wrdreg $0x9  }
0xb0: {  	_ =	task.clear_ibuf [dreg:s6], $0x4FFFF;
	_ =	strace $0x90000046  }
0xb1: {  	s29 =	simm.s32 $0x9;
	_ =	strace $0x80000048  }
0xb2: {  	_ =	swait.ge [sflag:s29], $0x1  }
0xb3: {  	[sflag:s29] =	ssyncadd.s32 $0xFFFFFFFF  }
0xb4: {  	_ =	strace $0x90000048  }
0xb5: {  	_ =	sfence  }
0xb6: {  	s30 =	sld [smem:$0x0];
	_ =	sdelay $0x2  }
0xb7: {  	s31 =	sshll.u32 s1, $0xD;
	s1 =	sshrl.u32 s1, $0x2  }
0xb8: {  	s3 =	sand.u32 $0x4000, s31;
	s1 =	sadd.s32 s1, s30  }
0xb9: {  	s0 =	sor.u32 s3, s0;
	s1 =	sshll.u32 s1, $0x11  }
0xba: {  	s0 =	sor.u32 s1, s0  }
0xbb: {  	s0 =	sadd.s32 $0x8F2B, s0  }
0xbc: {  	[sflag:s0] =	ssyncadd.remote.s32 $0x1  }
0xbd: {  	_ =	sfence.sel $0xFFFF  }
0xbe: {  	[dreg:$0x0] =	wrdreg $0xFFFFFFFF;
	(pc) =	sbr.abs _section_cstart, $3  }
0xbf: {  	[dreg:$0x1] =	wrdreg $0xFFFFFFFF  }
0xc0: {  	_ =	task.clear_ibuf [dreg:s6], $0x2FFFF;
	_ =	strace $0x9FFFFFFF  }
0xc1: {  	(tm) =	ssettm $0x7FFFFFFF  }
tec
execute0_lowered:
.L_overlay_start_1:
0x0: {  	(tag) =	ssettag $0x1  }
0x1: {  	s0 =	srdreg.scid;
	s2 =	stileid.u32  }
0x2: {  	s1 =	rddreg [dreg:$0x0];
	s18 =	simm.s32 $0x100;
	s21 =	simm.s32 $0x1100  }
0x3: {  	s22 =	simm.s32 $0x1900;
	s23 =	simm.s32 $0x2100;
	s24 =	simm.s32 $0x2900  }
0x4: {  	s25 =	simm.s32 $0x3100;
	s28 =	simm.s32 $0x4100;
	s29 =	simm.s32 $0x4900  }
0x5: {  	s30 =	simm.s32 $0x5100;
	s31 =	simm.s32 $0x5900;
	s10 =	simm.s32 $0x7100  }
0x6: {  	s11 =	simm.s32 $0x7900;
	s12 =	simm.s32 $0x8100;
	s13 =	simm.s32 $0x8900  }
0x7: {  	s14 =	simm.s32 $0x9100;
	s15 =	simm.s32 $0x9900;
	s16 =	simm.s32 $0xA100  }
0x8: {  	s17 =	simm.s32 $0xA900;
	s9 =	simm.s32 $0xB100;
	s19 =	simm.s32 $0xB900  }
0x9: {  	s8 =	simm.s32 $0xC100;
	s0 =	sand.u32 $0x1, s0;
	s3 =	sshll.u32 s2, $0x1  }
0xa: {  	s2 =	simm.s32 $0x0;
	s6 =	sadd.s32 $0x48700, s1;
	s3 =	sor.u32 s0, s3  }
0xb: {  	[smem:$0x7FF] =	sst s2;
	s0 =	ssub.s32 $0x2, s0;
	s4 =	sshll.u32 s3, $0x5  }
0xc: {  	_ =	strace $0x80000047;
	s3 =	sshll.u32 s3, $0xD;
	s5 =	sshrl.u32 s0, $0x1  }
0xd: {  	s4 =	sadd.s32 s4, s1;
	s26 =	sadd.s32 s1, s3;
	s3 =	sadd.s32 $0x48400, s1  }
0xe: {  	v2 =	vlaneseq.u32;
	s0 =	ssub.s32 s0, s5;
	s5 =	sadd.s32 $0x48600, s1;
	s4 =	sadd.s32 $0x48000, s4  }
0xf: {  	vm0 =	vmmov $0xffff;
	v1 =	vshrl.u32 v2, $0x3;
	[dreg:$0x3] =	wrdreg s26;
	s7 =	smax.u32 s0, $0x1;
	s26 =	simm.s32 $0x3900  }
0x10: {  	v0 =	vand.u32 $0x7, v2;
	v2 =	vor.u32 $0x8, v2;
	v1 =	vmul.u32 $0x8, v1;
	[dreg:$0x2] =	wrdreg s4;
	s4 =	sadd.s32 $0x48500, s1;
	s1 =	simm.s32 $0x6100  }
.LBB2_1:
0x11: {  	s20 =	rddreg [dreg:$0x2];
	s0 =	simm.s32 $0x3  }
0x12: {  	[tilespmem:s2], [sflag:$0x3] =	stream.linear.gather [hbm4b:s20+s2], $0x100, $0x38;
	[tilespmem:$0x10100] =	vst v63  }
0x13: {  	_ =	swait.ge [sflag:s0], $0x100  }
0x14: {  	[sflag:s0] =	ssyncset.done $0x0  }
0x15: {  	s20 =	rddreg [dreg:$0x3];
	[sflag:s0] =	ssyncadd.s32 $0xFFFFFF00  }
0x16: {  	[tilespmem:s18], [sflag:$0x3] =	stream.linear.gather [hbm4b:s20+s2], $0x10000, $0x38;
	[tilespmem:$0x10100] =	vst v63  }
0x17: {  	_ =	swait.ge [sflag:s0], $0x10000  }
0x18: {  	[sflag:s0] =	ssyncset.done $0x0  }
0x19: {  	[sflag:s0] =	ssyncadd.s32 $0xFFFF0000  }
0x1a: {  	v3 =	vld [tilespmem:$0x0];
	_ =	sdelay $0x4  }
0x1b: {  	v4 =	vshll.u32 v3, $0x3  }
0x1c: {  	v3 =	vand.u32 $0x7, v3;
	v4 =	vand.u32 $0xFFFFFFC0, v4  }
0x1d: {  	v3 =	vor.u32 v3, v4  }
0x1e: {  	v4 =	vperm.xlane v3, v0;
	_ =	sdelay $0x1  }
0x1f: {  	v4 =	vadd.s32 v1, v4;
	_ =	sdelay $0x4  }
0x20: {  	[hbm4b:s3+s2] =	stream.indirect_vreg.scatter [tilespmem:s18], [sflag:$0x1], $0x80, v4, vm0, $0xb8;
	[tilespmem:$0x10100] =	vst v63  }
0x21: {  	s20 =	simm.s32 $0x900;
	v3 =	vperm.xlane v3, v2  }
0x22: {  	[hbm4b:s4+s2] =	stream.indirect_vreg.scatter [tilespmem:s20], [sflag:$0x1], $0x80, v4, vm0, $0xb8;
	[tilespmem:$0x10100] =	vst v63  }
0x23: {  	v3 =	vadd.s32 v1, v3  }
0x24: {  	[hbm4b:s5+s2] =	stream.indirect_vreg.scatter [tilespmem:s21], [sflag:$0x1], $0x80, v4, vm0, $0xb8;
	[tilespmem:$0x10100] =	vst v63  }
0x25: {  	_ = 	snop  }
0x26: {  	[hbm4b:s6+s2] =	stream.indirect_vreg.scatter [tilespmem:s22], [sflag:$0x1], $0x80, v4, vm0, $0xb8;
	[tilespmem:$0x10100] =	vst v63  }
0x27: {  	_ = 	snop  }
0x28: {  	[hbm4b:s3+s2] =	stream.indirect_vreg.scatter [tilespmem:s23], [sflag:$0x1], $0x80, v3, vm0, $0xb8;
	[tilespmem:$0x10100] =	vst v63  }
0x29: {  	_ = 	snop  }
0x2a: {  	[hbm4b:s4+s2] =	stream.indirect_vreg.scatter [tilespmem:s24], [sflag:$0x1], $0x80, v3, vm0, $0xb8;
	[tilespmem:$0x10100] =	vst v63  }
0x2b: {  	_ = 	snop  }
0x2c: {  	[hbm4b:s5+s2] =	stream.indirect_vreg.scatter [tilespmem:s25], [sflag:$0x1], $0x80, v3, vm0, $0xb8;
	[tilespmem:$0x10100] =	vst v63  }
0x2d: {  	_ = 	snop  }
0x2e: {  	[hbm4b:s6+s2] =	stream.indirect_vreg.scatter [tilespmem:s26], [sflag:$0x1], $0x80, v3, vm0, $0xb8;
	[tilespmem:$0x10100] =	vst v63  }
0x2f: {  	v3 =	vld [tilespmem:$0x10];
	_ =	sdelay $0x4  }
0x30: {  	v57 =	vshll.u32 v3, $0x3  }
0x31: {  	v3 =	vand.u32 $0x7, v3;
	v4 =	vand.u32 $0xFFFFFFC0, v57  }
0x32: {  	v3 =	vor.u32 v3, v4  }
0x33: {  	v4 =	vperm.xlane v3, v0;
	_ =	sdelay $0x1  }
0x34: {  	v4 =	vadd.s32 v1, v4;
	_ =	sdelay $0x4  }
0x35: {  	[hbm4b:s3+s2] =	stream.indirect_vreg.scatter [tilespmem:s28], [sflag:$0x1], $0x80, v4, vm0, $0xb8;
	[tilespmem:$0x10100] =	vst v63  }
0x36: {  	v3 =	vperm.xlane v3, v2  }
0x37: {  	[hbm4b:s4+s2] =	stream.indirect_vreg.scatter [tilespmem:s29], [sflag:$0x1], $0x80, v4, vm0, $0xb8;
	[tilespmem:$0x10100] =	vst v63  }
0x38: {  	v3 =	vadd.s32 v1, v3  }
0x39: {  	[hbm4b:s5+s2] =	stream.indirect_vreg.scatter [tilespmem:s30], [sflag:$0x1], $0x80, v4, vm0, $0xb8;
	[tilespmem:$0x10100] =	vst v63  }
0x3a: {  	_ = 	snop  }
0x3b: {  	[hbm4b:s6+s2] =	stream.indirect_vreg.scatter [tilespmem:s31], [sflag:$0x1], $0x80, v4, vm0, $0xb8;
	[tilespmem:$0x10100] =	vst v63  }
0x3c: {  	_ = 	snop  }
0x3d: {  	[hbm4b:s3+s2] =	stream.indirect_vreg.scatter [tilespmem:s1], [sflag:$0x1], $0x80, v3, vm0, $0xb8;
	[tilespmem:$0x10100] =	vst v63  }
0x3e: {  	s0 =	simm.s32 $0x6900  }
0x3f: {  	[hbm4b:s4+s2] =	stream.indirect_vreg.scatter [tilespmem:s0], [sflag:$0x1], $0x80, v3, vm0, $0xb8;
	[tilespmem:$0x10100] =	vst v63  }
0x40: {  	_ = 	snop  }
0x41: {  	[hbm4b:s5+s2] =	stream.indirect_vreg.scatter [tilespmem:s10], [sflag:$0x1], $0x80, v3, vm0, $0xb8;
	[tilespmem:$0x10100] =	vst v63  }
0x42: {  	_ = 	snop  }
0x43: {  	[hbm4b:s6+s2] =	stream.indirect_vreg.scatter [tilespmem:s11], [sflag:$0x1], $0x80, v3, vm0, $0xb8;
	[tilespmem:$0x10100] =	vst v63  }
0x44: {  	v3 =	vld [tilespmem:$0x20];
	_ =	sdelay $0x4  }
0x45: {  	v58 =	vshll.u32 v3, $0x3  }
0x46: {  	v3 =	vand.u32 $0x7, v3;
	v4 =	vand.u32 $0xFFFFFFC0, v58  }
0x47: {  	v3 =	vor.u32 v3, v4  }
0x48: {  	v4 =	vperm.xlane v3, v0;
	_ =	sdelay $0x1  }
0x49: {  	v4 =	vadd.s32 v1, v4;
	_ =	sdelay $0x4  }
0x4a: {  	[hbm4b:s3+s2] =	stream.indirect_vreg.scatter [tilespmem:s12], [sflag:$0x1], $0x80, v4, vm0, $0xb8;
	[tilespmem:$0x10100] =	vst v63  }
0x4b: {  	v3 =	vperm.xlane v3, v2  }
0x4c: {  	[hbm4b:s4+s2] =	stream.indirect_vreg.scatter [tilespmem:s13], [sflag:$0x1], $0x80, v4, vm0, $0xb8;
	[tilespmem:$0x10100] =	vst v63  }
0x4d: {  	v3 =	vadd.s32 v1, v3  }
0x4e: {  	[hbm4b:s5+s2] =	stream.indirect_vreg.scatter [tilespmem:s14], [sflag:$0x1], $0x80, v4, vm0, $0xb8;
	[tilespmem:$0x10100] =	vst v63  }
0x4f: {  	_ = 	snop  }
0x50: {  	[hbm4b:s6+s2] =	stream.indirect_vreg.scatter [tilespmem:s15], [sflag:$0x1], $0x80, v4, vm0, $0xb8;
	[tilespmem:$0x10100] =	vst v63  }
0x51: {  	_ = 	snop  }
0x52: {  	[hbm4b:s3+s2] =	stream.indirect_vreg.scatter [tilespmem:s16], [sflag:$0x1], $0x80, v3, vm0, $0xb8;
	[tilespmem:$0x10100] =	vst v63  }
0x53: {  	_ = 	snop  }
0x54: {  	[hbm4b:s4+s2] =	stream.indirect_vreg.scatter [tilespmem:s17], [sflag:$0x1], $0x80, v3, vm0, $0xb8;
	[tilespmem:$0x10100] =	vst v63  }
0x55: {  	_ = 	snop  }
0x56: {  	[hbm4b:s5+s2] =	stream.indirect_vreg.scatter [tilespmem:s9], [sflag:$0x1], $0x80, v3, vm0, $0xb8;
	[tilespmem:$0x10100] =	vst v63  }
0x57: {  	_ = 	snop  }
0x58: {  	[hbm4b:s6+s2] =	stream.indirect_vreg.scatter [tilespmem:s19], [sflag:$0x1], $0x80, v3, vm0, $0xb8;
	[tilespmem:$0x10100] =	vst v63  }
0x59: {  	v3 =	vld [tilespmem:$0x30];
	_ =	sdelay $0x4  }
0x5a: {  	v59 =	vshll.u32 v3, $0x3  }
0x5b: {  	v3 =	vand.u32 $0x7, v3;
	v4 =	vand.u32 $0xFFFFFFC0, v59  }
0x5c: {  	v3 =	vor.u32 v3, v4  }
0x5d: {  	v4 =	vperm.xlane v3, v0;
	_ =	sdelay $0x1  }
0x5e: {  	v4 =	vadd.s32 v1, v4;
	_ =	sdelay $0x4  }
0x5f: {  	[hbm4b:s3+s2] =	stream.indirect_vreg.scatter [tilespmem:s8], [sflag:$0x1], $0x80, v4, vm0, $0xb8;
	[tilespmem:$0x10100] =	vst v63  }
0x60: {  	s0 =	simm.s32 $0xC900;
	v3 =	vperm.xlane v3, v2  }
0x61: {  	[hbm4b:s4+s2] =	stream.indirect_vreg.scatter [tilespmem:s0], [sflag:$0x1], $0x80, v4, vm0, $0xb8;
	[tilespmem:$0x10100] =	vst v63  }
0x62: {  	v3 =	vadd.s32 v1, v3;
	s0 =	simm.s32 $0xD100  }
0x63: {  	[hbm4b:s5+s2] =	stream.indirect_vreg.scatter [tilespmem:s0], [sflag:$0x1], $0x80, v4, vm0, $0xb8;
	[tilespmem:$0x10100] =	vst v63  }
0x64: {  	s0 =	simm.s32 $0xD900  }
0x65: {  	[hbm4b:s6+s2] =	stream.indirect_vreg.scatter [tilespmem:s0], [sflag:$0x1], $0x80, v4, vm0, $0xb8;
	[tilespmem:$0x10100] =	vst v63  }
0x66: {  	s0 =	simm.s32 $0xE100  }
0x67: {  	[hbm4b:s3+s2] =	stream.indirect_vreg.scatter [tilespmem:s0], [sflag:$0x1], $0x80, v3, vm0, $0xb8;
	[tilespmem:$0x10100] =	vst v63  }
0x68: {  	s0 =	simm.s32 $0xE900  }
0x69: {  	[hbm4b:s4+s2] =	stream.indirect_vreg.scatter [tilespmem:s0], [sflag:$0x1], $0x80, v3, vm0, $0xb8;
	[tilespmem:$0x10100] =	vst v63  }
0x6a: {  	s0 =	simm.s32 $0xF100  }
0x6b: {  	[hbm4b:s5+s2] =	stream.indirect_vreg.scatter [tilespmem:s0], [sflag:$0x1], $0x80, v3, vm0, $0xb8;
	[tilespmem:$0x10100] =	vst v63  }
0x6c: {  	s0 =	simm.s32 $0xF900  }
0x6d: {  	[hbm4b:s6+s2] =	stream.indirect_vreg.scatter [tilespmem:s0], [sflag:$0x1], $0x80, v3, vm0, $0xb8;
	[tilespmem:$0x10100] =	vst v63  }
0x6e: {  	v3 =	vld [tilespmem:$0x80];
	_ =	sdelay $0x4  }
0x6f: {  	v60 =	vshll.u32 v3, $0x3  }
0x70: {  	v3 =	vand.u32 $0x7, v3;
	v4 =	vand.u32 $0xFFFFFFC0, v60  }
0x71: {  	v3 =	vor.u32 v3, v4  }
0x72: {  	v4 =	vperm.xlane v3, v0;
	_ =	sdelay $0x1  }
0x73: {  	v4 =	vadd.s32 v1, v4;
	_ =	sdelay $0x4  }
0x74: {  	[hbm4b:s3+s2] =	stream.indirect_vreg.scatter [tilespmem:s18], [sflag:$0x2], $0x80, v4, vm0, $0xb8;
	[tilespmem:$0x10100] =	vst v63  }
0x75: {  	v3 =	vperm.xlane v3, v2  }
0x76: {  	[hbm4b:s4+s2] =	stream.indirect_vreg.scatter [tilespmem:s20], [sflag:$0x2], $0x80, v4, vm0, $0xb8;
	[tilespmem:$0x10100] =	vst v63  }
0x77: {  	v3 =	vadd.s32 v1, v3  }
0x78: {  	[hbm4b:s5+s2] =	stream.indirect_vreg.scatter [tilespmem:s21], [sflag:$0x2], $0x80, v4, vm0, $0xb8;
	[tilespmem:$0x10100] =	vst v63  }
0x79: {  	_ = 	snop  }
0x7a: {  	[hbm4b:s6+s2] =	stream.indirect_vreg.scatter [tilespmem:s22], [sflag:$0x2], $0x80, v4, vm0, $0xb8;
	[tilespmem:$0x10100] =	vst v63  }
0x7b: {  	_ = 	snop  }
0x7c: {  	[hbm4b:s3+s2] =	stream.indirect_vreg.scatter [tilespmem:s23], [sflag:$0x2], $0x80, v3, vm0, $0xb8;
	[tilespmem:$0x10100] =	vst v63  }
0x7d: {  	_ = 	snop  }
0x7e: {  	[hbm4b:s4+s2] =	stream.indirect_vreg.scatter [tilespmem:s24], [sflag:$0x2], $0x80, v3, vm0, $0xb8;
	[tilespmem:$0x10100] =	vst v63  }
0x7f: {  	_ = 	snop  }
0x80: {  	[hbm4b:s5+s2] =	stream.indirect_vreg.scatter [tilespmem:s25], [sflag:$0x2], $0x80, v3, vm0, $0xb8;
	[tilespmem:$0x10100] =	vst v63  }
0x81: {  	_ = 	snop  }
0x82: {  	[hbm4b:s6+s2] =	stream.indirect_vreg.scatter [tilespmem:s26], [sflag:$0x2], $0x80, v3, vm0, $0xb8;
	[tilespmem:$0x10100] =	vst v63  }
0x83: {  	v3 =	vld [tilespmem:$0x90];
	_ =	sdelay $0x4  }
0x84: {  	v61 =	vshll.u32 v3, $0x3  }
0x85: {  	v3 =	vand.u32 $0x7, v3;
	v4 =	vand.u32 $0xFFFFFFC0, v61  }
0x86: {  	v3 =	vor.u32 v3, v4  }
0x87: {  	v4 =	vperm.xlane v3, v0;
	_ =	sdelay $0x1  }
0x88: {  	v4 =	vadd.s32 v1, v4;
	_ =	sdelay $0x4  }
0x89: {  	[hbm4b:s3+s2] =	stream.indirect_vreg.scatter [tilespmem:s28], [sflag:$0x2], $0x80, v4, vm0, $0xb8;
	[tilespmem:$0x10100] =	vst v63  }
0x8a: {  	v3 =	vperm.xlane v3, v2  }
0x8b: {  	[hbm4b:s4+s2] =	stream.indirect_vreg.scatter [tilespmem:s29], [sflag:$0x2], $0x80, v4, vm0, $0xb8;
	[tilespmem:$0x10100] =	vst v63  }
0x8c: {  	v3 =	vadd.s32 v1, v3  }
0x8d: {  	[hbm4b:s5+s2] =	stream.indirect_vreg.scatter [tilespmem:s30], [sflag:$0x2], $0x80, v4, vm0, $0xb8;
	[tilespmem:$0x10100] =	vst v63  }
0x8e: {  	_ = 	snop  }
0x8f: {  	[hbm4b:s6+s2] =	stream.indirect_vreg.scatter [tilespmem:s31], [sflag:$0x2], $0x80, v4, vm0, $0xb8;
	[tilespmem:$0x10100] =	vst v63  }
0x90: {  	_ = 	snop  }
0x91: {  	[hbm4b:s3+s2] =	stream.indirect_vreg.scatter [tilespmem:s1], [sflag:$0x2], $0x80, v3, vm0, $0xb8;
	[tilespmem:$0x10100] =	vst v63  }
0x92: {  	s20 =	simm.s32 $0x6900  }
0x93: {  	[hbm4b:s4+s2] =	stream.indirect_vreg.scatter [tilespmem:s20], [sflag:$0x2], $0x80, v3, vm0, $0xb8;
	[tilespmem:$0x10100] =	vst v63  }
0x94: {  	_ = 	snop  }
0x95: {  	[hbm4b:s5+s2] =	stream.indirect_vreg.scatter [tilespmem:s10], [sflag:$0x2], $0x80, v3, vm0, $0xb8;
	[tilespmem:$0x10100] =	vst v63  }
0x96: {  	_ = 	snop  }
0x97: {  	[hbm4b:s6+s2] =	stream.indirect_vreg.scatter [tilespmem:s11], [sflag:$0x2], $0x80, v3, vm0, $0xb8;
	[tilespmem:$0x10100] =	vst v63  }
0x98: {  	v3 =	vld [tilespmem:$0xA0];
	_ =	sdelay $0x4  }
0x99: {  	v62 =	vshll.u32 v3, $0x3  }
0x9a: {  	v3 =	vand.u32 $0x7, v3;
	v4 =	vand.u32 $0xFFFFFFC0, v62  }
0x9b: {  	v3 =	vor.u32 v3, v4  }
0x9c: {  	v4 =	vperm.xlane v3, v0;
	_ =	sdelay $0x1  }
0x9d: {  	v4 =	vadd.s32 v1, v4;
	_ =	sdelay $0x4  }
0x9e: {  	[hbm4b:s3+s2] =	stream.indirect_vreg.scatter [tilespmem:s12], [sflag:$0x2], $0x80, v4, vm0, $0xb8;
	[tilespmem:$0x10100] =	vst v63  }
0x9f: {  	v3 =	vperm.xlane v3, v2  }
0xa0: {  	[hbm4b:s4+s2] =	stream.indirect_vreg.scatter [tilespmem:s13], [sflag:$0x2], $0x80, v4, vm0, $0xb8;
	[tilespmem:$0x10100] =	vst v63  }
0xa1: {  	v3 =	vadd.s32 v1, v3  }
0xa2: {  	[hbm4b:s5+s2] =	stream.indirect_vreg.scatter [tilespmem:s14], [sflag:$0x2], $0x80, v4, vm0, $0xb8;
	[tilespmem:$0x10100] =	vst v63  }
0xa3: {  	_ = 	snop  }
0xa4: {  	[hbm4b:s6+s2] =	stream.indirect_vreg.scatter [tilespmem:s15], [sflag:$0x2], $0x80, v4, vm0, $0xb8;
	[tilespmem:$0x10100] =	vst v63  }
0xa5: {  	_ = 	snop  }
0xa6: {  	[hbm4b:s3+s2] =	stream.indirect_vreg.scatter [tilespmem:s16], [sflag:$0x2], $0x80, v3, vm0, $0xb8;
	[tilespmem:$0x10100] =	vst v63  }
0xa7: {  	_ = 	snop  }
0xa8: {  	[hbm4b:s4+s2] =	stream.indirect_vreg.scatter [tilespmem:s17], [sflag:$0x2], $0x80, v3, vm0, $0xb8;
	[tilespmem:$0x10100] =	vst v63  }
0xa9: {  	_ = 	snop  }
0xaa: {  	[hbm4b:s5+s2] =	stream.indirect_vreg.scatter [tilespmem:s9], [sflag:$0x2], $0x80, v3, vm0, $0xb8;
	[tilespmem:$0x10100] =	vst v63  }
0xab: {  	_ = 	snop  }
0xac: {  	[hbm4b:s6+s2] =	stream.indirect_vreg.scatter [tilespmem:s19], [sflag:$0x2], $0x80, v3, vm0, $0xb8;
	[tilespmem:$0x10100] =	vst v63  }
0xad: {  	v3 =	vld [tilespmem:$0xB0];
	_ =	sdelay $0x4  }
0xae: {  	v63 =	vshll.u32 v3, $0x3  }
0xaf: {  	v3 =	vand.u32 $0x7, v3;
	v4 =	vand.u32 $0xFFFFFFC0, v63  }
0xb0: {  	v3 =	vor.u32 v3, v4  }
0xb1: {  	v4 =	vperm.xlane v3, v0;
	_ =	sdelay $0x1  }
0xb2: {  	v4 =	vadd.s32 v1, v4;
	_ =	sdelay $0x4  }
0xb3: {  	[hbm4b:s3+s2] =	stream.indirect_vreg.scatter [tilespmem:s8], [sflag:$0x2], $0x80, v4, vm0, $0xb8;
	[tilespmem:$0x10100] =	vst v63  }
0xb4: {  	s20 =	simm.s32 $0xC900;
	v3 =	vperm.xlane v3, v2  }
0xb5: {  	[hbm4b:s4+s2] =	stream.indirect_vreg.scatter [tilespmem:s20], [sflag:$0x2], $0x80, v4, vm0, $0xb8;
	[tilespmem:$0x10100] =	vst v63  }
0xb6: {  	v3 =	vadd.s32 v1, v3;
	s20 =	simm.s32 $0xD100  }
0xb7: {  	[hbm4b:s5+s2] =	stream.indirect_vreg.scatter [tilespmem:s20], [sflag:$0x2], $0x80, v4, vm0, $0xb8;
	[tilespmem:$0x10100] =	vst v63  }
0xb8: {  	s20 =	simm.s32 $0xD900  }
0xb9: {  	[hbm4b:s6+s2] =	stream.indirect_vreg.scatter [tilespmem:s20], [sflag:$0x2], $0x80, v4, vm0, $0xb8;
	[tilespmem:$0x10100] =	vst v63  }
0xba: {  	s20 =	simm.s32 $0xE100  }
0xbb: {  	[hbm4b:s3+s2] =	stream.indirect_vreg.scatter [tilespmem:s20], [sflag:$0x2], $0x80, v3, vm0, $0xb8;
	[tilespmem:$0x10100] =	vst v63  }
0xbc: {  	s20 =	simm.s32 $0xE900  }
0xbd: {  	[hbm4b:s4+s2] =	stream.indirect_vreg.scatter [tilespmem:s20], [sflag:$0x2], $0x80, v3, vm0, $0xb8;
	[tilespmem:$0x10100] =	vst v63  }
0xbe: {  	s20 =	simm.s32 $0xF100  }
0xbf: {  	[hbm4b:s5+s2] =	stream.indirect_vreg.scatter [tilespmem:s20], [sflag:$0x2], $0x80, v3, vm0, $0xb8;
	[tilespmem:$0x10100] =	vst v63  }
0xc0: {  	s20 =	simm.s32 $0xF900  }
0xc1: {  	[hbm4b:s6+s2] =	stream.indirect_vreg.scatter [tilespmem:s20], [sflag:$0x2], $0x80, v3, vm0, $0xb8;
	[tilespmem:$0x10100] =	vst v63  }
0xc2: {  	s20 =	simm.s32 $0x1  }
0xc3: {  	p0 =	sne.s32 s7, $0x1;
	_ =	swait.ge [sflag:s20], $0x10000  }
.Ltmp0:
0xc4: {  	[sflag:s20] =	ssyncset.done $0x0;
	(pc) =	sbr.rel @p0 .LBB2_1-.Ltmp0, $4  }
0xc5: {  	[sflag:s20] =	ssyncadd.s32 $0xFFFF0000;
	s20 =	simm.s32 $0x2  }
0xc6: {  	_ =	swait.ge [sflag:s20], $0x10000  }
0xc7: {  	[sflag:s20] =	ssyncset.done $0x0  }
0xc8: {  	s7 =	sadd.s32 $0xFFFFFFFF, s7;
	[sflag:s20] =	ssyncadd.s32 $0xFFFF0000  }
0xc9: {  	_ =	sfence.sel $0x180000  }
0xca: {  	[bflag:$0x0] =	sbarrier.arrive $0xFFFF  }
0xcb: {  	_ =	strace $0x90000047  }
0xcc: {  	s0 =	stileid.u32;
	[bflag:$0x2] =	sbarrier.arrive $0xFFFF  }
0xcd: {  	p0 =	sne.s32 s0, $0x0;
	s0 =	rddreg [dreg:$0x1]  }
0xce: {  	s0 =	sadd.s32 @!p0 $0x100000, s0  }
0xcf: {  	[sflag:s0] =	ssyncadd.tile.s32 @!p0 $0x1;
	_ =	shalt  }
.Lfunc_end2:
_tile_overlayer_lowered:
.L_overlay_start_2:
0xd0: {  	(tag) =	ssettag $0x2  }
0xd1: {  	s0 =	rddreg [dreg:$0x0];
	s2 =	stileid.u32  }
0xd2: {  	s1 =	rddreg [dreg:$0x1];
	p0 =	sne.s32 s2, $0x0  }
0xd3: {  	s3 =	rddreg [dreg:$0x2];
	[bflag:$0x3] =	sbarrier.arrive $0xFFFF;
	s2 =	simm.s32 @!p0 $0x1C03  }
0xd4: {  	[timem:s3], [sflag:s2] =	dma.local @!p0 [hbm:s0], s1  }
0xd5: {  	s0 =	simm.s32 @!p0 $0x3  }
0xd6: {  	_ =	swait.ge @!p0 [sflag:s0], s1  }
0xd7: {  	s1 =	ssub.s32 @!p0 $0x0, s1;
	[sflag:s0] =	ssyncset.done @!p0 $0x0  }
0xd8: {  	[sflag:s0] =	ssyncadd.s32 @!p0 s1  }
0xd9: {  	[bflag:$0x3] =	sbarrier.arrive $0xFFFF  }
0xda: {  	_ =	shalt  }

</sc_bundles>
